<compile_context>
chip_gen: v7x
topology: tpu7x:2x2x1
jax: 0.10.2.dev20260603
libtpu: 0.0.44.dev20260713+nightly
codegen_flags: <defaults>
</compile_context>

<pallas_src>
import functools

import jax
import jax.numpy as jnp
from jax import lax
from jax.experimental import pallas as pl
from jax.experimental.pallas import tpu as pltpu
from jax.experimental.pallas import tpu_sc as plsc

NUM_CAT = 26
VOCAB = 100000
NUM_NUM = 13
BATCH = 16384

NUM_WORKERS = 32
BPW = BATCH // NUM_WORKERS
IDX_PER_W = BPW * NUM_CAT
NUM_PER_W = BPW * NUM_NUM
GCHUNK = 512
NGATHER = IDX_PER_W // GCHUNK
LANES = 16
GROUPS = BPW // LANES


def _sc_body(tab, idxh, numh, nkbh, out,
             idx_v, vals_v, num_v, nkb_v, out_v,
             sem_idx, sem_num, sem_g):
    wid = lax.axis_index("c") * 16 + lax.axis_index("s")
    base = wid * BPW

    cp_idx = pltpu.make_async_copy(
        idxh.at[pl.ds(wid * IDX_PER_W, IDX_PER_W)], idx_v, sem_idx)
    cp_idx.start()
    cp_num = pltpu.make_async_copy(
        numh.at[pl.ds(wid * NUM_PER_W, NUM_PER_W)], num_v, sem_num)
    cp_num.start()
    cp_nkb = pltpu.make_async_copy(nkbh, nkb_v, sem_num)
    cp_nkb.start()

    cp_idx.wait()

    def issue(t, carry):
        pltpu.make_async_copy(
            tab.at[idx_v.at[pl.ds(t * GCHUNK, GCHUNK)]],
            vals_v.at[pl.ds(t * GCHUNK, GCHUNK)],
            sem_g).start()
        return carry
    lax.fori_loop(0, NGATHER, issue, 0)

    cp_num.wait()
    cp_nkb.wait()
    pltpu.make_async_copy(tab.at[pl.ds(0, IDX_PER_W)], vals_v, sem_g).wait()

    lane = lax.iota(jnp.int32, LANES)
    lane_cat = lane * NUM_CAT
    lane_num = lane * NUM_NUM
    kvecs = [nkb_v[pl.ds(n * LANES, LANES)] for n in range(NUM_NUM + 1)]

    def grp(j, carry):
        acc = kvecs[NUM_NUM]
        cbase = j * (LANES * NUM_CAT)
        for f in range(NUM_CAT):
            acc = acc + plsc.load_gather(vals_v, [lane_cat + (cbase + f)])
        nbase = j * (LANES * NUM_NUM)
        for n in range(NUM_NUM):
            acc = acc + plsc.load_gather(num_v, [lane_num + (nbase + n)]) * kvecs[n]
        out_v[pl.ds(j * LANES, LANES)] = acc
        return carry
    lax.fori_loop(0, GROUPS, grp, 0)

    pltpu.sync_copy(out_v, out.at[pl.ds(base, BPW)])


@jax.jit
def _sc_call(tab_flat, flat_idx, num_flat, nkb):
    mesh = plsc.VectorSubcoreMesh(core_axis_name="c", subcore_axis_name="s")
    f = functools.partial(
        pl.kernel,
        out_type=jax.ShapeDtypeStruct((BATCH,), jnp.float32),
        mesh=mesh,
        compiler_params=pltpu.CompilerParams(needs_layout_passes=False),
        scratch_types=[
            pltpu.VMEM((IDX_PER_W,), jnp.int32),
            pltpu.VMEM((IDX_PER_W,), jnp.float32),
            pltpu.VMEM((NUM_PER_W,), jnp.float32),
            pltpu.VMEM(((NUM_NUM + 1) * LANES,), jnp.float32),
            pltpu.VMEM((BPW,), jnp.float32),
            pltpu.SemaphoreType.DMA,
            pltpu.SemaphoreType.DMA,
            pltpu.SemaphoreType.DMA,
        ],
    )(_sc_body)
    return f(tab_flat, flat_idx, num_flat, nkb)


def kernel(cat_indices, numeric, tables, numeric_kernel, bias):
    cat32 = cat_indices.astype(jnp.int32)
    offs = (jnp.arange(NUM_CAT, dtype=jnp.int32) * VOCAB)[None, :]
    flat_idx = (cat32 + offs).reshape(-1)
    tab_flat = tables.reshape(-1)
    num_flat = numeric.reshape(-1)
    nkb = jnp.concatenate([
        jnp.repeat(numeric_kernel.reshape(-1), LANES),
        jnp.repeat(bias.reshape(-1), LANES),
    ])
    out = _sc_call(tab_flat, flat_idx, num_flat, nkb)
    return out.reshape(BATCH, 1)

# --- scband reference (transcript-rebuilt; emitter-appended) ---
"""Pipeline reference for scband-scalar-linear-features-52699248722601 (READ-ONLY COPY).

The authoritative reference and input builder live on the scoring server;
editing this copy changes nothing except your own understanding.
"""

import jax, jax.numpy as jnp
import numpy as np

NUM_CAT = 26
VOCAB = 100000
NUM_NUM = 13
BATCH = 16384

def setup_inputs(seed: int = 0) -> dict:
    key = jax.random.key(seed)
    k1, k2, k3, k4, k5 = jax.random.split(key, 5)
    cat_indices = jax.random.randint(k1, (BATCH, NUM_CAT), 0, VOCAB, dtype=jnp.int64)
    numeric = jax.random.normal(k2, (BATCH, NUM_NUM), dtype=jnp.float32)
    # Learned parameters. The original layer initializes these to zeros;
    # we use small random values so the reference exercises nontrivial math.
    tables = jax.random.normal(k3, (NUM_CAT, VOCAB, 1), dtype=jnp.float32) * 0.01
    numeric_kernel = jax.random.normal(k4, (NUM_NUM, 1), dtype=jnp.float32) * 0.01
    bias = jax.random.normal(k5, (1,), dtype=jnp.float32) * 0.01
    return {"cat_indices": cat_indices, "numeric": numeric, "tables": tables,
            "numeric_kernel": numeric_kernel, "bias": bias}

def reference(cat_indices, numeric, tables, numeric_kernel, bias):
    # x = bias; for each categorical column, gather its (vocab, 1) table
    # by the column's indices and accumulate; then add numeric @ kernel.
    x = bias  # broadcasts to (B, 1)
    for f in range(tables.shape[0]):
        x = x + jnp.take(tables[f], cat_indices[:, f], axis=0)  # (B, 1)
    x = x + jnp.matmul(numeric, numeric_kernel)  # (B, 1)
    return x

if __name__ == "__main__":
    import jax
    _d = setup_inputs()
    print(jax.jit(kernel)(*tuple(_d.values())))

</pallas_src>

<mosaic_0001>
#map = affine_map<(d0, d1) -> (0)>
module attributes {stable_mosaic.version = 14 : i64} {
  func.func @_sc_body(%arg0: i32, %arg1: i32, %arg2: memref<2600000xf32, #tpu.memory_space<hbm>>, %arg3: memref<425984xi32, #tpu.memory_space<hbm>>, %arg4: memref<212992xf32, #tpu.memory_space<hbm>>, %arg5: memref<224xf32, #tpu.memory_space<hbm>>, %arg6: memref<16384xf32, #tpu.memory_space<hbm>>, %arg7: memref<13312xi32, #tpu.memory_space<vmem>>, %arg8: memref<13312xf32, #tpu.memory_space<vmem>>, %arg9: memref<6656xf32, #tpu.memory_space<vmem>>, %arg10: memref<224xf32, #tpu.memory_space<vmem>>, %arg11: memref<512xf32, #tpu.memory_space<vmem>>, %arg12: memref<!tpu.dma_semaphore, #tpu.memory_space<semaphore_mem>>, %arg13: memref<!tpu.dma_semaphore, #tpu.memory_space<semaphore_mem>>, %arg14: memref<!tpu.dma_semaphore, #tpu.memory_space<semaphore_mem>>) attributes {dimension_semantics = [#tpu.dimension_semantics<core_parallel>, #tpu.dimension_semantics<subcore_parallel>], iteration_bounds = array<i64: 2, 16>, scalar_prefetch = 0 : i64, scratch_operands = 8 : i64, tpu.core_type = #tpu.core_type<sc_vector_subcore>, window_params = [{transform_indices = #map}, {transform_indices = #map}, {transform_indices = #map}, {transform_indices = #map}, {transform_indices = #map}]} {
    %mul3A = arith.constant 16 : i32
    %mul3A_0 = arith.muli %arg0, %mul3A : i32
    %add3A = arith.addi %mul3A_0, %arg1 : i32
    %mul3A_1 = arith.constant 512 : i32
    %mul3A_2 = arith.muli %add3A, %mul3A_1 : i32
    %mul3A_3 = arith.constant 13312 : i32
    %mul3A_4 = arith.muli %add3A, %mul3A_3 : i32
    %dma_start3A = tpu.memref_slice %arg3[%mul3A_4] : memref<425984xi32, #tpu.memory_space<hbm>> -> memref<13312xi32, #tpu.memory_space<hbm>>
    %dma_start3A_5 = tpu.memref_slice %arg3[%mul3A_4] : memref<425984xi32, #tpu.memory_space<hbm>> -> memref<13312xi32, #tpu.memory_space<hbm>>
    tpu.enqueue_dma source(%dma_start3A_5 : memref<13312xi32, #tpu.memory_space<hbm>>) target(%arg7 : memref<13312xi32, #tpu.memory_space<vmem>>) target_semaphore(%arg12 : memref<!tpu.dma_semaphore, #tpu.memory_space<semaphore_mem>>)
    %mul3A_6 = arith.constant 6656 : i32
    %mul3A_7 = arith.muli %add3A, %mul3A_6 : i32
    %dma_start3A_8 = tpu.memref_slice %arg4[%mul3A_7] : memref<212992xf32, #tpu.memory_space<hbm>> -> memref<6656xf32, #tpu.memory_space<hbm>>
    %dma_start3A_9 = tpu.memref_slice %arg4[%mul3A_7] : memref<212992xf32, #tpu.memory_space<hbm>> -> memref<6656xf32, #tpu.memory_space<hbm>>
    tpu.enqueue_dma source(%dma_start3A_9 : memref<6656xf32, #tpu.memory_space<hbm>>) target(%arg9 : memref<6656xf32, #tpu.memory_space<vmem>>) target_semaphore(%arg13 : memref<!tpu.dma_semaphore, #tpu.memory_space<semaphore_mem>>)
    tpu.enqueue_dma source(%arg5 : memref<224xf32, #tpu.memory_space<hbm>>) target(%arg10 : memref<224xf32, #tpu.memory_space<vmem>>) target_semaphore(%arg13 : memref<!tpu.dma_semaphore, #tpu.memory_space<semaphore_mem>>)
    %dma_wait3A = tpu.memref_slice %arg3[%mul3A_4] : memref<425984xi32, #tpu.memory_space<hbm>> -> memref<13312xi32, #tpu.memory_space<hbm>>
    %dma_wait3A_10 = tpu.memref_slice %arg3[%mul3A_4] : memref<425984xi32, #tpu.memory_space<hbm>> -> memref<13312xi32, #tpu.memory_space<hbm>>
    tpu.wait_dma2 semaphore(%arg12 : memref<!tpu.dma_semaphore, #tpu.memory_space<semaphore_mem>>) src(%dma_wait3A_10 : memref<13312xi32, #tpu.memory_space<hbm>>) dst(%arg7 : memref<13312xi32, #tpu.memory_space<vmem>>)
    %scan3A = arith.constant 0 : i32
    %scan3A_11 = arith.constant 0 : i32
    %scan3A_12 = arith.constant 26 : i32
    %scan3A_13 = arith.addi %scan3A_11, %scan3A_12 : i32
    %scan3A_14 = arith.constant 1 : i32
    scf.for %scan3A_61 = %scan3A_11 to %scan3A_13 step %scan3A_14  : i32 {
      %mul3A_62 = arith.constant 512 : i32
      %mul3A_63 = arith.muli %scan3A_61, %mul3A_62 : i32
      %mul3A_64 = arith.constant 512 : i32
      %mul3A_65 = arith.muli %scan3A_61, %mul3A_64 : i32
      %dma_start3A_66 = tpu.memref_slice %arg8[%mul3A_65] : memref<13312xf32, #tpu.memory_space<vmem>> -> memref<512xf32, #tpu.memory_space<vmem>>
      %dma_start3A_67 = tpu.memref_slice %arg7[%mul3A_63] : memref<13312xi32, #tpu.memory_space<vmem>> -> memref<512xi32, #tpu.memory_space<vmem>>
      %dma_start3A_68 = arith.constant 0 : i32
      %dma_start3A_69 = tpu.memref_slice %arg2[%dma_start3A_68] : memref<2600000xf32, #tpu.memory_space<hbm>> -> memref<2600000xf32, #tpu.memory_space<hbm>>
      tpu.enqueue_indirect_dma source(%dma_start3A_69 : memref<2600000xf32, #tpu.memory_space<hbm>>) target(%dma_start3A_66 : memref<512xf32, #tpu.memory_space<vmem>>) offsets(%dma_start3A_67 : memref<512xi32, #tpu.memory_space<vmem>>) semaphore(%arg14 : memref<!tpu.dma_semaphore, #tpu.memory_space<semaphore_mem>>)
    }
    %scan3A_15 = arith.constant 26 : i32
    %dma_wait3A_16 = tpu.memref_slice %arg4[%mul3A_7] : memref<212992xf32, #tpu.memory_space<hbm>> -> memref<6656xf32, #tpu.memory_space<hbm>>
    %dma_wait3A_17 = tpu.memref_slice %arg4[%mul3A_7] : memref<212992xf32, #tpu.memory_space<hbm>> -> memref<6656xf32, #tpu.memory_space<hbm>>
    tpu.wait_dma2 semaphore(%arg13 : memref<!tpu.dma_semaphore, #tpu.memory_space<semaphore_mem>>) src(%dma_wait3A_17 : memref<6656xf32, #tpu.memory_space<hbm>>) dst(%arg9 : memref<6656xf32, #tpu.memory_space<vmem>>)
    tpu.wait_dma2 semaphore(%arg13 : memref<!tpu.dma_semaphore, #tpu.memory_space<semaphore_mem>>) src(%arg5 : memref<224xf32, #tpu.memory_space<hbm>>) dst(%arg10 : memref<224xf32, #tpu.memory_space<vmem>>)
    %dma_wait3A_18 = arith.constant 0 : i32
    %dma_wait3A_19 = tpu.memref_slice %arg2[%dma_wait3A_18] : memref<2600000xf32, #tpu.memory_space<hbm>> -> memref<13312xf32, #tpu.memory_space<hbm>>
    %dma_wait3A_20 = arith.constant 0 : i32
    %dma_wait3A_21 = tpu.memref_slice %arg2[%dma_wait3A_20] : memref<2600000xf32, #tpu.memory_space<hbm>> -> memref<13312xf32, #tpu.memory_space<hbm>>
    tpu.wait_dma2 semaphore(%arg14 : memref<!tpu.dma_semaphore, #tpu.memory_space<semaphore_mem>>) src(%dma_wait3A_21 : memref<13312xf32, #tpu.memory_space<hbm>>) dst(%arg8 : memref<13312xf32, #tpu.memory_space<vmem>>)
    %iota3A = tpu.iota {dimensions = array<i32: 0>} : vector<16xi32>
    %mul3A_22 = arith.constant 26 : i32
    %mul3A_23 = vector.broadcast %mul3A_22 : i32 to vector<16xi32>
    %mul3A_24 = arith.muli %iota3A, %mul3A_23 : vector<16xi32>
    %mul3A_25 = arith.constant 13 : i32
    %mul3A_26 = vector.broadcast %mul3A_25 : i32 to vector<16xi32>
    %mul3A_27 = arith.muli %iota3A, %mul3A_26 : vector<16xi32>
    %get3A = arith.constant 0 : index
    %get3A_28 = tpu.vector_load %arg10[%get3A] {strides = array<i32>} : memref<224xf32, #tpu.memory_space<vmem>>, vector<16xf32>,
    %get3A_29 = arith.constant 16 : index
    %get3A_30 = tpu.vector_load %arg10[%get3A_29] {strides = array<i32>} : memref<224xf32, #tpu.memory_space<vmem>>, vector<16xf32>,
    %get3A_31 = arith.constant 32 : index
    %get3A_32 = tpu.vector_load %arg10[%get3A_31] {strides = array<i32>} : memref<224xf32, #tpu.memory_space<vmem>>, vector<16xf32>,
    %get3A_33 = arith.constant 48 : index
    %get3A_34 = tpu.vector_load %arg10[%get3A_33] {strides = array<i32>} : memref<224xf32, #tpu.memory_space<vmem>>, vector<16xf32>,
    %get3A_35 = arith.constant 64 : index
    %get3A_36 = tpu.vector_load %arg10[%get3A_35] {strides = array<i32>} : memref<224xf32, #tpu.memory_space<vmem>>, vector<16xf32>,
    %get3A_37 = arith.constant 80 : index
    %get3A_38 = tpu.vector_load %arg10[%get3A_37] {strides = array<i32>} : memref<224xf32, #tpu.memory_space<vmem>>, vector<16xf32>,
    %get3A_39 = arith.constant 96 : index
    %get3A_40 = tpu.vector_load %arg10[%get3A_39] {strides = array<i32>} : memref<224xf32, #tpu.memory_space<vmem>>, vector<16xf32>,
    %get3A_41 = arith.constant 112 : index
    %get3A_42 = tpu.vector_load %arg10[%get3A_41] {strides = array<i32>} : memref<224xf32, #tpu.memory_space<vmem>>, vector<16xf32>,
    %get3A_43 = arith.constant 128 : index
    %get3A_44 = tpu.vector_load %arg10[%get3A_43] {strides = array<i32>} : memref<224xf32, #tpu.memory_space<vmem>>, vector<16xf32>,
    %get3A_45 = arith.constant 144 : index
    %get3A_46 = tpu.vector_load %arg10[%get3A_45] {strides = array<i32>} : memref<224xf32, #tpu.memory_space<vmem>>, vector<16xf32>,
    %get3A_47 = arith.constant 160 : index
    %get3A_48 = tpu.vector_load %arg10[%get3A_47] {strides = array<i32>} : memref<224xf32, #tpu.memory_space<vmem>>, vector<16xf32>,
    %get3A_49 = arith.constant 176 : index
    %get3A_50 = tpu.vector_load %arg10[%get3A_49] {strides = array<i32>} : memref<224xf32, #tpu.memory_space<vmem>>, vector<16xf32>,
    %get3A_51 = arith.constant 192 : index
    %get3A_52 = tpu.vector_load %arg10[%get3A_51] {strides = array<i32>} : memref<224xf32, #tpu.memory_space<vmem>>, vector<16xf32>,
    %get3A_53 = arith.constant 208 : index
    %get3A_54 = tpu.vector_load %arg10[%get3A_53] {strides = array<i32>} : memref<224xf32, #tpu.memory_space<vmem>>, vector<16xf32>,
    %scan3A_55 = arith.constant 0 : i32
    %scan3A_56 = arith.constant 0 : i32
    %scan3A_57 = arith.constant 32 : i32
    %scan3A_58 = arith.addi %scan3A_56, %scan3A_57 : i32
    %scan3A_59 = arith.constant 1 : i32
    scf.for %scan3A_61 = %scan3A_56 to %scan3A_58 step %scan3A_59  : i32 {
      %mul3A_62 = arith.constant 416 : i32
      %mul3A_63 = arith.muli %scan3A_61, %mul3A_62 : i32
      %add3A_64 = arith.constant 0 : i32
      %add3A_65 = arith.addi %mul3A_63, %add3A_64 : i32
      %add3A_66 = vector.broadcast %add3A_65 : i32 to vector<16xi32>
      %add3A_67 = arith.addi %mul3A_24, %add3A_66 : vector<16xi32>
      %gather3A = tpu.vector_load_idx %arg8[%add3A_67] : memref<13312xf32, #tpu.memory_space<vmem>>[vector<16xi32>], vector<16xf32>,
      %add3A_68 = arith.addf %get3A_54, %gather3A : vector<16xf32>
      %add3A_69 = arith.constant 1 : i32
      %add3A_70 = arith.addi %mul3A_63, %add3A_69 : i32
      %add3A_71 = vector.broadcast %add3A_70 : i32 to vector<16xi32>
      %add3A_72 = arith.addi %mul3A_24, %add3A_71 : vector<16xi32>
      %gather3A_73 = tpu.vector_load_idx %arg8[%add3A_72] : memref<13312xf32, #tpu.memory_space<vmem>>[vector<16xi32>], vector<16xf32>,
      %add3A_74 = arith.addf %add3A_68, %gather3A_73 : vector<16xf32>
      %add3A_75 = arith.constant 2 : i32
      %add3A_76 = arith.addi %mul3A_63, %add3A_75 : i32
      %add3A_77 = vector.broadcast %add3A_76 : i32 to vector<16xi32>
      %add3A_78 = arith.addi %mul3A_24, %add3A_77 : vector<16xi32>
      %gather3A_79 = tpu.vector_load_idx %arg8[%add3A_78] : memref<13312xf32, #tpu.memory_space<vmem>>[vector<16xi32>], vector<16xf32>,
      %add3A_80 = arith.addf %add3A_74, %gather3A_79 : vector<16xf32>
      %add3A_81 = arith.constant 3 : i32
      %add3A_82 = arith.addi %mul3A_63, %add3A_81 : i32
      %add3A_83 = vector.broadcast %add3A_82 : i32 to vector<16xi32>
      %add3A_84 = arith.addi %mul3A_24, %add3A_83 : vector<16xi32>
      %gather3A_85 = tpu.vector_load_idx %arg8[%add3A_84] : memref<13312xf32, #tpu.memory_space<vmem>>[vector<16xi32>], vector<16xf32>,
      %add3A_86 = arith.addf %add3A_80, %gather3A_85 : vector<16xf32>
      %add3A_87 = arith.constant 4 : i32
      %add3A_88 = arith.addi %mul3A_63, %add3A_87 : i32
      %add3A_89 = vector.broadcast %add3A_88 : i32 to vector<16xi32>
      %add3A_90 = arith.addi %mul3A_24, %add3A_89 : vector<16xi32>
      %gather3A_91 = tpu.vector_load_idx %arg8[%add3A_90] : memref<13312xf32, #tpu.memory_space<vmem>>[vector<16xi32>], vector<16xf32>,
      %add3A_92 = arith.addf %add3A_86, %gather3A_91 : vector<16xf32>
      %add3A_93 = arith.constant 5 : i32
      %add3A_94 = arith.addi %mul3A_63, %add3A_93 : i32
      %add3A_95 = vector.broadcast %add3A_94 : i32 to vector<16xi32>
      %add3A_96 = arith.addi %mul3A_24, %add3A_95 : vector<16xi32>
      %gather3A_97 = tpu.vector_load_idx %arg8[%add3A_96] : memref<13312xf32, #tpu.memory_space<vmem>>[vector<16xi32>], vector<16xf32>,
      %add3A_98 = arith.addf %add3A_92, %gather3A_97 : vector<16xf32>
      %add3A_99 = arith.constant 6 : i32
      %add3A_100 = arith.addi %mul3A_63, %add3A_99 : i32
      %add3A_101 = vector.broadcast %add3A_100 : i32 to vector<16xi32>
      %add3A_102 = arith.addi %mul3A_24, %add3A_101 : vector<16xi32>
      %gather3A_103 = tpu.vector_load_idx %arg8[%add3A_102] : memref<13312xf32, #tpu.memory_space<vmem>>[vector<16xi32>], vector<16xf32>,
      %add3A_104 = arith.addf %add3A_98, %gather3A_103 : vector<16xf32>
      %add3A_105 = arith.constant 7 : i32
      %add3A_106 = arith.addi %mul3A_63, %add3A_105 : i32
      %add3A_107 = vector.broadcast %add3A_106 : i32 to vector<16xi32>
      %add3A_108 = arith.addi %mul3A_24, %add3A_107 : vector<16xi32>
      %gather3A_109 = tpu.vector_load_idx %arg8[%add3A_108] : memref<13312xf32, #tpu.memory_space<vmem>>[vector<16xi32>], vector<16xf32>,
      %add3A_110 = arith.addf %add3A_104, %gather3A_109 : vector<16xf32>
      %add3A_111 = arith.constant 8 : i32
      %add3A_112 = arith.addi %mul3A_63, %add3A_111 : i32
      %add3A_113 = vector.broadcast %add3A_112 : i32 to vector<16xi32>
      %add3A_114 = arith.addi %mul3A_24, %add3A_113 : vector<16xi32>
      %gather3A_115 = tpu.vector_load_idx %arg8[%add3A_114] : memref<13312xf32, #tpu.memory_space<vmem>>[vector<16xi32>], vector<16xf32>,
      %add3A_116 = arith.addf %add3A_110, %gather3A_115 : vector<16xf32>
      %add3A_117 = arith.constant 9 : i32
      %add3A_118 = arith.addi %mul3A_63, %add3A_117 : i32
      %add3A_119 = vector.broadcast %add3A_118 : i32 to vector<16xi32>
      %add3A_120 = arith.addi %mul3A_24, %add3A_119 : vector<16xi32>
      %gather3A_121 = tpu.vector_load_idx %arg8[%add3A_120] : memref<13312xf32, #tpu.memory_space<vmem>>[vector<16xi32>], vector<16xf32>,
      %add3A_122 = arith.addf %add3A_116, %gather3A_121 : vector<16xf32>
      %add3A_123 = arith.constant 10 : i32
      %add3A_124 = arith.addi %mul3A_63, %add3A_123 : i32
      %add3A_125 = vector.broadcast %add3A_124 : i32 to vector<16xi32>
      %add3A_126 = arith.addi %mul3A_24, %add3A_125 : vector<16xi32>
      %gather3A_127 = tpu.vector_load_idx %arg8[%add3A_126] : memref<13312xf32, #tpu.memory_space<vmem>>[vector<16xi32>], vector<16xf32>,
      %add3A_128 = arith.addf %add3A_122, %gather3A_127 : vector<16xf32>
      %add3A_129 = arith.constant 11 : i32
      %add3A_130 = arith.addi %mul3A_63, %add3A_129 : i32
      %add3A_131 = vector.broadcast %add3A_130 : i32 to vector<16xi32>
      %add3A_132 = arith.addi %mul3A_24, %add3A_131 : vector<16xi32>
      %gather3A_133 = tpu.vector_load_idx %arg8[%add3A_132] : memref<13312xf32, #tpu.memory_space<vmem>>[vector<16xi32>], vector<16xf32>,
      %add3A_134 = arith.addf %add3A_128, %gather3A_133 : vector<16xf32>
      %add3A_135 = arith.constant 12 : i32
      %add3A_136 = arith.addi %mul3A_63, %add3A_135 : i32
      %add3A_137 = vector.broadcast %add3A_136 : i32 to vector<16xi32>
      %add3A_138 = arith.addi %mul3A_24, %add3A_137 : vector<16xi32>
      %gather3A_139 = tpu.vector_load_idx %arg8[%add3A_138] : memref<13312xf32, #tpu.memory_space<vmem>>[vector<16xi32>], vector<16xf32>,
      %add3A_140 = arith.addf %add3A_134, %gather3A_139 : vector<16xf32>
      %add3A_141 = arith.constant 13 : i32
      %add3A_142 = arith.addi %mul3A_63, %add3A_141 : i32
      %add3A_143 = vector.broadcast %add3A_142 : i32 to vector<16xi32>
      %add3A_144 = arith.addi %mul3A_24, %add3A_143 : vector<16xi32>
      %gather3A_145 = tpu.vector_load_idx %arg8[%add3A_144] : memref<13312xf32, #tpu.memory_space<vmem>>[vector<16xi32>], vector<16xf32>,
      %add3A_146 = arith.addf %add3A_140, %gather3A_145 : vector<16xf32>
      %add3A_147 = arith.constant 14 : i32
      %add3A_148 = arith.addi %mul3A_63, %add3A_147 : i32
      %add3A_149 = vector.broadcast %add3A_148 : i32 to vector<16xi32>
      %add3A_150 = arith.addi %mul3A_24, %add3A_149 : vector<16xi32>
      %gather3A_151 = tpu.vector_load_idx %arg8[%add3A_150] : memref<13312xf32, #tpu.memory_space<vmem>>[vector<16xi32>], vector<16xf32>,
      %add3A_152 = arith.addf %add3A_146, %gather3A_151 : vector<16xf32>
      %add3A_153 = arith.constant 15 : i32
      %add3A_154 = arith.addi %mul3A_63, %add3A_153 : i32
      %add3A_155 = vector.broadcast %add3A_154 : i32 to vector<16xi32>
      %add3A_156 = arith.addi %mul3A_24, %add3A_155 : vector<16xi32>
      %gather3A_157 = tpu.vector_load_idx %arg8[%add3A_156] : memref<13312xf32, #tpu.memory_space<vmem>>[vector<16xi32>], vector<16xf32>,
      %add3A_158 = arith.addf %add3A_152, %gather3A_157 : vector<16xf32>
      %add3A_159 = arith.constant 16 : i32
      %add3A_160 = arith.addi %mul3A_63, %add3A_159 : i32
      %add3A_161 = vector.broadcast %add3A_160 : i32 to vector<16xi32>
      %add3A_162 = arith.addi %mul3A_24, %add3A_161 : vector<16xi32>
      %gather3A_163 = tpu.vector_load_idx %arg8[%add3A_162] : memref<13312xf32, #tpu.memory_space<vmem>>[vector<16xi32>], vector<16xf32>,
      %add3A_164 = arith.addf %add3A_158, %gather3A_163 : vector<16xf32>
      %add3A_165 = arith.constant 17 : i32
      %add3A_166 = arith.addi %mul3A_63, %add3A_165 : i32
      %add3A_167 = vector.broadcast %add3A_166 : i32 to vector<16xi32>
      %add3A_168 = arith.addi %mul3A_24, %add3A_167 : vector<16xi32>
      %gather3A_169 = tpu.vector_load_idx %arg8[%add3A_168] : memref<13312xf32, #tpu.memory_space<vmem>>[vector<16xi32>], vector<16xf32>,
      %add3A_170 = arith.addf %add3A_164, %gather3A_169 : vector<16xf32>
      %add3A_171 = arith.constant 18 : i32
      %add3A_172 = arith.addi %mul3A_63, %add3A_171 : i32
      %add3A_173 = vector.broadcast %add3A_172 : i32 to vector<16xi32>
      %add3A_174 = arith.addi %mul3A_24, %add3A_173 : vector<16xi32>
      %gather3A_175 = tpu.vector_load_idx %arg8[%add3A_174] : memref<13312xf32, #tpu.memory_space<vmem>>[vector<16xi32>], vector<16xf32>,
      %add3A_176 = arith.addf %add3A_170, %gather3A_175 : vector<16xf32>
      %add3A_177 = arith.constant 19 : i32
      %add3A_178 = arith.addi %mul3A_63, %add3A_177 : i32
      %add3A_179 = vector.broadcast %add3A_178 : i32 to vector<16xi32>
      %add3A_180 = arith.addi %mul3A_24, %add3A_179 : vector<16xi32>
      %gather3A_181 = tpu.vector_load_idx %arg8[%add3A_180] : memref<13312xf32, #tpu.memory_space<vmem>>[vector<16xi32>], vector<16xf32>,
      %add3A_182 = arith.addf %add3A_176, %gather3A_181 : vector<16xf32>
      %add3A_183 = arith.constant 20 : i32
      %add3A_184 = arith.addi %mul3A_63, %add3A_183 : i32
      %add3A_185 = vector.broadcast %add3A_184 : i32 to vector<16xi32>
      %add3A_186 = arith.addi %mul3A_24, %add3A_185 : vector<16xi32>
      %gather3A_187 = tpu.vector_load_idx %arg8[%add3A_186] : memref<13312xf32, #tpu.memory_space<vmem>>[vector<16xi32>], vector<16xf32>,
      %add3A_188 = arith.addf %add3A_182, %gather3A_187 : vector<16xf32>
      %add3A_189 = arith.constant 21 : i32
      %add3A_190 = arith.addi %mul3A_63, %add3A_189 : i32
      %add3A_191 = vector.broadcast %add3A_190 : i32 to vector<16xi32>
      %add3A_192 = arith.addi %mul3A_24, %add3A_191 : vector<16xi32>
      %gather3A_193 = tpu.vector_load_idx %arg8[%add3A_192] : memref<13312xf32, #tpu.memory_space<vmem>>[vector<16xi32>], vector<16xf32>,
      %add3A_194 = arith.addf %add3A_188, %gather3A_193 : vector<16xf32>
      %add3A_195 = arith.constant 22 : i32
      %add3A_196 = arith.addi %mul3A_63, %add3A_195 : i32
      %add3A_197 = vector.broadcast %add3A_196 : i32 to vector<16xi32>
      %add3A_198 = arith.addi %mul3A_24, %add3A_197 : vector<16xi32>
      %gather3A_199 = tpu.vector_load_idx %arg8[%add3A_198] : memref<13312xf32, #tpu.memory_space<vmem>>[vector<16xi32>], vector<16xf32>,
      %add3A_200 = arith.addf %add3A_194, %gather3A_199 : vector<16xf32>
      %add3A_201 = arith.constant 23 : i32
      %add3A_202 = arith.addi %mul3A_63, %add3A_201 : i32
      %add3A_203 = vector.broadcast %add3A_202 : i32 to vector<16xi32>
      %add3A_204 = arith.addi %mul3A_24, %add3A_203 : vector<16xi32>
      %gather3A_205 = tpu.vector_load_idx %arg8[%add3A_204] : memref<13312xf32, #tpu.memory_space<vmem>>[vector<16xi32>], vector<16xf32>,
      %add3A_206 = arith.addf %add3A_200, %gather3A_205 : vector<16xf32>
      %add3A_207 = arith.constant 24 : i32
      %add3A_208 = arith.addi %mul3A_63, %add3A_207 : i32
      %add3A_209 = vector.broadcast %add3A_208 : i32 to vector<16xi32>
      %add3A_210 = arith.addi %mul3A_24, %add3A_209 : vector<16xi32>
      %gather3A_211 = tpu.vector_load_idx %arg8[%add3A_210] : memref<13312xf32, #tpu.memory_space<vmem>>[vector<16xi32>], vector<16xf32>,
      %add3A_212 = arith.addf %add3A_206, %gather3A_211 : vector<16xf32>
      %add3A_213 = arith.constant 25 : i32
      %add3A_214 = arith.addi %mul3A_63, %add3A_213 : i32
      %add3A_215 = vector.broadcast %add3A_214 : i32 to vector<16xi32>
      %add3A_216 = arith.addi %mul3A_24, %add3A_215 : vector<16xi32>
      %gather3A_217 = tpu.vector_load_idx %arg8[%add3A_216] : memref<13312xf32, #tpu.memory_space<vmem>>[vector<16xi32>], vector<16xf32>,
      %add3A_218 = arith.addf %add3A_212, %gather3A_217 : vector<16xf32>
      %mul3A_219 = arith.constant 208 : i32
      %mul3A_220 = arith.muli %scan3A_61, %mul3A_219 : i32
      %add3A_221 = arith.constant 0 : i32
      %add3A_222 = arith.addi %mul3A_220, %add3A_221 : i32
      %add3A_223 = vector.broadcast %add3A_222 : i32 to vector<16xi32>
      %add3A_224 = arith.addi %mul3A_27, %add3A_223 : vector<16xi32>
      %gather3A_225 = tpu.vector_load_idx %arg9[%add3A_224] : memref<6656xf32, #tpu.memory_space<vmem>>[vector<16xi32>], vector<16xf32>,
      %mul3A_226 = arith.mulf %gather3A_225, %get3A_28 : vector<16xf32>
      %add3A_227 = arith.addf %add3A_218, %mul3A_226 : vector<16xf32>
      %add3A_228 = arith.constant 1 : i32
      %add3A_229 = arith.addi %mul3A_220, %add3A_228 : i32
      %add3A_230 = vector.broadcast %add3A_229 : i32 to vector<16xi32>
      %add3A_231 = arith.addi %mul3A_27, %add3A_230 : vector<16xi32>
      %gather3A_232 = tpu.vector_load_idx %arg9[%add3A_231] : memref<6656xf32, #tpu.memory_space<vmem>>[vector<16xi32>], vector<16xf32>,
      %mul3A_233 = arith.mulf %gather3A_232, %get3A_30 : vector<16xf32>
      %add3A_234 = arith.addf %add3A_227, %mul3A_233 : vector<16xf32>
      %add3A_235 = arith.constant 2 : i32
      %add3A_236 = arith.addi %mul3A_220, %add3A_235 : i32
      %add3A_237 = vector.broadcast %add3A_236 : i32 to vector<16xi32>
      %add3A_238 = arith.addi %mul3A_27, %add3A_237 : vector<16xi32>
      %gather3A_239 = tpu.vector_load_idx %arg9[%add3A_238] : memref<6656xf32, #tpu.memory_space<vmem>>[vector<16xi32>], vector<16xf32>,
      %mul3A_240 = arith.mulf %gather3A_239, %get3A_32 : vector<16xf32>
      %add3A_241 = arith.addf %add3A_234, %mul3A_240 : vector<16xf32>
      %add3A_242 = arith.constant 3 : i32
      %add3A_243 = arith.addi %mul3A_220, %add3A_242 : i32
      %add3A_244 = vector.broadcast %add3A_243 : i32 to vector<16xi32>
      %add3A_245 = arith.addi %mul3A_27, %add3A_244 : vector<16xi32>
      %gather3A_246 = tpu.vector_load_idx %arg9[%add3A_245] : memref<6656xf32, #tpu.memory_space<vmem>>[vector<16xi32>], vector<16xf32>,
      %mul3A_247 = arith.mulf %gather3A_246, %get3A_34 : vector<16xf32>
      %add3A_248 = arith.addf %add3A_241, %mul3A_247 : vector<16xf32>
      %add3A_249 = arith.constant 4 : i32
      %add3A_250 = arith.addi %mul3A_220, %add3A_249 : i32
      %add3A_251 = vector.broadcast %add3A_250 : i32 to vector<16xi32>
      %add3A_252 = arith.addi %mul3A_27, %add3A_251 : vector<16xi32>
      %gather3A_253 = tpu.vector_load_idx %arg9[%add3A_252] : memref<6656xf32, #tpu.memory_space<vmem>>[vector<16xi32>], vector<16xf32>,
      %mul3A_254 = arith.mulf %gather3A_253, %get3A_36 : vector<16xf32>
      %add3A_255 = arith.addf %add3A_248, %mul3A_254 : vector<16xf32>
      %add3A_256 = arith.constant 5 : i32
      %add3A_257 = arith.addi %mul3A_220, %add3A_256 : i32
      %add3A_258 = vector.broadcast %add3A_257 : i32 to vector<16xi32>
      %add3A_259 = arith.addi %mul3A_27, %add3A_258 : vector<16xi32>
      %gather3A_260 = tpu.vector_load_idx %arg9[%add3A_259] : memref<6656xf32, #tpu.memory_space<vmem>>[vector<16xi32>], vector<16xf32>,
      %mul3A_261 = arith.mulf %gather3A_260, %get3A_38 : vector<16xf32>
      %add3A_262 = arith.addf %add3A_255, %mul3A_261 : vector<16xf32>
      %add3A_263 = arith.constant 6 : i32
      %add3A_264 = arith.addi %mul3A_220, %add3A_263 : i32
      %add3A_265 = vector.broadcast %add3A_264 : i32 to vector<16xi32>
      %add3A_266 = arith.addi %mul3A_27, %add3A_265 : vector<16xi32>
      %gather3A_267 = tpu.vector_load_idx %arg9[%add3A_266] : memref<6656xf32, #tpu.memory_space<vmem>>[vector<16xi32>], vector<16xf32>,
      %mul3A_268 = arith.mulf %gather3A_267, %get3A_40 : vector<16xf32>
      %add3A_269 = arith.addf %add3A_262, %mul3A_268 : vector<16xf32>
      %add3A_270 = arith.constant 7 : i32
      %add3A_271 = arith.addi %mul3A_220, %add3A_270 : i32
      %add3A_272 = vector.broadcast %add3A_271 : i32 to vector<16xi32>
      %add3A_273 = arith.addi %mul3A_27, %add3A_272 : vector<16xi32>
      %gather3A_274 = tpu.vector_load_idx %arg9[%add3A_273] : memref<6656xf32, #tpu.memory_space<vmem>>[vector<16xi32>], vector<16xf32>,
      %mul3A_275 = arith.mulf %gather3A_274, %get3A_42 : vector<16xf32>
      %add3A_276 = arith.addf %add3A_269, %mul3A_275 : vector<16xf32>
      %add3A_277 = arith.constant 8 : i32
      %add3A_278 = arith.addi %mul3A_220, %add3A_277 : i32
      %add3A_279 = vector.broadcast %add3A_278 : i32 to vector<16xi32>
      %add3A_280 = arith.addi %mul3A_27, %add3A_279 : vector<16xi32>
      %gather3A_281 = tpu.vector_load_idx %arg9[%add3A_280] : memref<6656xf32, #tpu.memory_space<vmem>>[vector<16xi32>], vector<16xf32>,
      %mul3A_282 = arith.mulf %gather3A_281, %get3A_44 : vector<16xf32>
      %add3A_283 = arith.addf %add3A_276, %mul3A_282 : vector<16xf32>
      %add3A_284 = arith.constant 9 : i32
      %add3A_285 = arith.addi %mul3A_220, %add3A_284 : i32
      %add3A_286 = vector.broadcast %add3A_285 : i32 to vector<16xi32>
      %add3A_287 = arith.addi %mul3A_27, %add3A_286 : vector<16xi32>
      %gather3A_288 = tpu.vector_load_idx %arg9[%add3A_287] : memref<6656xf32, #tpu.memory_space<vmem>>[vector<16xi32>], vector<16xf32>,
      %mul3A_289 = arith.mulf %gather3A_288, %get3A_46 : vector<16xf32>
      %add3A_290 = arith.addf %add3A_283, %mul3A_289 : vector<16xf32>
      %add3A_291 = arith.constant 10 : i32
      %add3A_292 = arith.addi %mul3A_220, %add3A_291 : i32
      %add3A_293 = vector.broadcast %add3A_292 : i32 to vector<16xi32>
      %add3A_294 = arith.addi %mul3A_27, %add3A_293 : vector<16xi32>
      %gather3A_295 = tpu.vector_load_idx %arg9[%add3A_294] : memref<6656xf32, #tpu.memory_space<vmem>>[vector<16xi32>], vector<16xf32>,
      %mul3A_296 = arith.mulf %gather3A_295, %get3A_48 : vector<16xf32>
      %add3A_297 = arith.addf %add3A_290, %mul3A_296 : vector<16xf32>
      %add3A_298 = arith.constant 11 : i32
      %add3A_299 = arith.addi %mul3A_220, %add3A_298 : i32
      %add3A_300 = vector.broadcast %add3A_299 : i32 to vector<16xi32>
      %add3A_301 = arith.addi %mul3A_27, %add3A_300 : vector<16xi32>
      %gather3A_302 = tpu.vector_load_idx %arg9[%add3A_301] : memref<6656xf32, #tpu.memory_space<vmem>>[vector<16xi32>], vector<16xf32>,
      %mul3A_303 = arith.mulf %gather3A_302, %get3A_50 : vector<16xf32>
      %add3A_304 = arith.addf %add3A_297, %mul3A_303 : vector<16xf32>
      %add3A_305 = arith.constant 12 : i32
      %add3A_306 = arith.addi %mul3A_220, %add3A_305 : i32
      %add3A_307 = vector.broadcast %add3A_306 : i32 to vector<16xi32>
      %add3A_308 = arith.addi %mul3A_27, %add3A_307 : vector<16xi32>
      %gather3A_309 = tpu.vector_load_idx %arg9[%add3A_308] : memref<6656xf32, #tpu.memory_space<vmem>>[vector<16xi32>], vector<16xf32>,
      %mul3A_310 = arith.mulf %gather3A_309, %get3A_52 : vector<16xf32>
      %add3A_311 = arith.addf %add3A_304, %mul3A_310 : vector<16xf32>
      %mul3A_312 = arith.constant 16 : i32
      %mul3A_313 = arith.muli %scan3A_61, %mul3A_312 : i32
      %swap3A = arith.index_cast %mul3A_313 : i32 to index
      %swap3A_314 = tpu.vector_load %arg11[%swap3A] {strides = array<i32>} : memref<512xf32, #tpu.memory_space<vmem>>, vector<16xf32>,
      tpu.vector_store %arg11[%swap3A], %add3A_311 {strides = array<i32>} : memref<512xf32, #tpu.memory_space<vmem>>, vector<16xf32>,
    }
    %scan3A_60 = arith.constant 32 : i32
    "tpu.region"() ({
      %run_scoped3A = tpu.sem_alloc : memref<!tpu.dma_semaphore, #tpu.memory_space<semaphore_mem>>
      %dma_start3A_61 = tpu.memref_slice %arg6[%mul3A_2] : memref<16384xf32, #tpu.memory_space<hbm>> -> memref<512xf32, #tpu.memory_space<hbm>>
      %dma_start3A_62 = tpu.memref_slice %arg6[%mul3A_2] : memref<16384xf32, #tpu.memory_space<hbm>> -> memref<512xf32, #tpu.memory_space<hbm>>
      tpu.enqueue_dma source(%arg11 : memref<512xf32, #tpu.memory_space<vmem>>) target(%dma_start3A_62 : memref<512xf32, #tpu.memory_space<hbm>>) target_semaphore(%run_scoped3A : memref<!tpu.dma_semaphore, #tpu.memory_space<semaphore_mem>>)
      %dma_wait3A_63 = tpu.memref_slice %arg6[%mul3A_2] : memref<16384xf32, #tpu.memory_space<hbm>> -> memref<512xf32, #tpu.memory_space<hbm>>
      %dma_wait3A_64 = tpu.memref_slice %arg6[%mul3A_2] : memref<16384xf32, #tpu.memory_space<hbm>> -> memref<512xf32, #tpu.memory_space<hbm>>
      tpu.wait_dma2 semaphore(%run_scoped3A : memref<!tpu.dma_semaphore, #tpu.memory_space<semaphore_mem>>) src(%arg11 : memref<512xf32, #tpu.memory_space<vmem>>) dst(%dma_wait3A_64 : memref<512xf32, #tpu.memory_space<hbm>>)
      tpu.yield
    }) : () -> ()
    return
  }
}

</mosaic_0001>

<sc_bundles>
// kernel: _sc_call.3.cloned.1.call-start
scs
__scs_entry_jumppad:
0x0: {  	(pc) =	sbr.rel $0x88, $3  }
0x1: {  	(tag) =	ssettag $0x0;
	lr =	simm.s32 $0x1  }
0x2: {  	[smem:$0x3F9D] =	sst lr;
	_ =	strace $0xD0000000  }
0x3: {  	_ = 	snop  }
0x4: {  	_ = 	snop  }
0x5: {  	_ = 	snop  }
0x6: {  	_ = 	snop  }
0x7: {  	_ = 	snop  }
__scs_overlays_trampoline_lowered:
0x8: {  	[smem:$0x3FAC] =	sst s0  }
0x9: {  	[smem:$0x3FAD] =	sst s1  }
0xa: {  	[smem:$0x3FAE] =	sst s2  }
0xb: {  	[smem:$0x3FAF] =	sst s3  }
0xc: {  	[smem:$0x3FB0] =	sst s4  }
0xd: {  	[smem:$0x3FB1] =	sst s5  }
0xe: {  	[smem:$0x3FB2] =	sst s6  }
0xf: {  	[smem:$0x3FB3] =	sst s7  }
0x10: {  	[smem:$0x3FB4] =	sst s8  }
0x11: {  	[smem:$0x3FB5] =	sst s9;
	s0 =	simm.s32 @!p0 $0x0  }
0x12: {  	s1 =	sld [smem:$0x3F9B];
	s0 =	simm.s32 @p0 $0x1  }
0x13: {  	[smem:$0x3FB6] =	sst s0;
	s0 =	simm.s32 @!p1 $0x0  }
0x14: {  	s2 =	sld [smem:$0x3F9A];
	s0 =	simm.s32 @p1 $0x1  }
0x15: {  	[smem:$0x3FB7] =	sst s0;
	s0 =	simm.s32 @!p2 $0x0  }
0x16: {  	s3 =	sld [smem:$0x3FDB];
	s0 =	simm.s32 @p2 $0x1  }
0x17: {  	s4 =	simm.s32 $0x1BF5;
	[smem:$0x3FB9] =	sst s0  }
0x18: {  	s0 =	sld [smem:$0x3F9C];
	_ =	swait.ge [sflag:s4], $0x0  }
0x19: {  	s7 =	sld [smem:$0x3F9D]  }
0x1a: {  	s8 =	sadd.s32 $0xFFFFE003, lr  }
0x1b: {  	s9 =	sadd.s32 $0xFFFFFEF7, lr;
	s5 =	simm.s32 $0xFFFFFFFF;
	p2 =	slt.u32 s8, $0xFFFFF086  }
0x1c: {  	p1 =	slt.u32 s9, $0xF7A;
	s5 =	simm.s32 @!p2 $0x0  }
0x1d: {  	s5 =	simm.s32 @p1 $0x1;
	p0 =	seq.s32 s7, s2  }
0x1e: {  	s7 =	smul.u32 @!p0 $0xF7A, s2;
	p2 =	seq.s32 @!p0 s5, $0x0  }
0x1f: {  	s9 =	smul.u32 $0xF7A, s1;
	s8 =	simm.s32 @!p0 $0x1BF5;
	p2 =	por !p2, p0  }
0x20: {  	[sflag:s8] =	ssyncset.s32 @!p0 $0xFFFFF086;
	s6 =	sadd.s32 @!p0 s3, s7;
	s7 =	simm.s32 @!p0 $0x108  }
0x21: {  	s3 =	sadd.s32 s3, s9;
	s6 =	sadd.s32 @!p0 $0x88, s6;
	s7 =	simm.s32 @p2 $0x1082  }
0x22: {  	[simem:s7], [sflag:s8] =	dma.local @!p0 [hbm:s6], $0xF7A  }
0x23: {  	s9 =	sor.u32 $0xD0000000, s2;
	s6 =	simm.s32 $0x108;
	_ =	swait.ge @!p0 [sflag:s8], $0x0  }
0x24: {  	s3 =	sadd.s32 $0x88, s3;
	s6 =	simm.s32 @!p1 $0x1082;
	[sflag:s4] =	ssyncset.s32 $0xFFFFF086  }
0x25: {  	[simem:s6], [sflag:s4] =	dma.local [hbm:s3], $0xF7A  }
0x26: {  	[smem:$0x3F9D] =	sst s1;
	(tag) =	ssettag s2;
	_ =	strace s9  }
0x27: {  	s1 =	sld [smem:$0x3FAD]  }
0x28: {  	s2 =	sld [smem:$0x3FAE]  }
0x29: {  	s4 =	sld [smem:$0x3FB0]  }
0x2a: {  	p0 =	seq.s32 s5, $0x0;
	s5 =	sld [smem:$0x3FB1]  }
0x2b: {  	s6 =	sld [smem:$0x3FB2]  }
0x2c: {  	s7 =	sld [smem:$0x3FB3]  }
0x2d: {  	s3 =	simm.s32 $0x108;
	s8 =	sld [smem:$0x3FB4]  }
0x2e: {  	s3 =	simm.s32 @!p0 $0x1082;
	s9 =	sld [smem:$0x3FB5]  }
0x2f: {  	lr =	sadd.s32 s0, s3;
	s0 =	sld [smem:$0x3FAC]  }
0x30: {  	s3 =	sld [smem:$0x3FAF]  }
0x31: {  	[smem:$0x3FB8] =	sst s10  }
0x32: {  	s10 =	sld [smem:$0x3FB6];
	_ =	sdelay $0x3  }
0x33: {  	p0 =	seq.s32 s10, $0x1;
	s10 =	sld [smem:$0x3FB8];
	_ =	sdelay $0x3  }
0x34: {  	[smem:$0x3FB8] =	sst s10  }
0x35: {  	s10 =	sld [smem:$0x3FB7];
	_ =	sdelay $0x3  }
0x36: {  	p1 =	seq.s32 s10, $0x1;
	s10 =	sld [smem:$0x3FB8];
	_ =	sdelay $0x3  }
0x37: {  	[smem:$0x3FB8] =	sst s10  }
0x38: {  	s10 =	sld [smem:$0x3FB9]  }
0x39: {  	_ = 	snop;
	(pc) =	sbr.ind lr, $3  }
0x3a: {  	_ = 	snop  }
0x3b: {  	_ = 	snop  }
0x3c: {  	p2 =	seq.s32 s10, $0x1;
	s10 =	sld [smem:$0x3FB8]  }
0x3d: {  	_ =	shalt  }
0x3e: {  	_ =	shalt  }
0x3f: {  	_ =	shalt  }
0x40: {  	_ =	shalt  }
0x41: {  	_ =	shalt  }
0x42: {  	_ =	shalt  }
0x43: {  	_ =	shalt  }
0x44: {  	_ =	shalt  }
0x45: {  	_ =	shalt  }
0x46: {  	_ =	shalt  }
0x47: {  	_ =	shalt  }
0x48: {  	_ =	shalt  }
0x49: {  	_ =	shalt  }
0x4a: {  	_ =	shalt  }
0x4b: {  	_ =	shalt  }
0x4c: {  	_ =	shalt  }
0x4d: {  	_ =	shalt  }
0x4e: {  	_ =	shalt  }
0x4f: {  	_ =	shalt  }
0x50: {  	_ =	shalt  }
0x51: {  	_ =	shalt  }
0x52: {  	_ =	shalt  }
0x53: {  	_ =	shalt  }
0x54: {  	_ =	shalt  }
0x55: {  	_ =	shalt  }
0x56: {  	_ =	shalt  }
0x57: {  	_ =	shalt  }
0x58: {  	_ =	shalt  }
0x59: {  	_ =	shalt  }
0x5a: {  	_ =	shalt  }
0x5b: {  	_ =	shalt  }
0x5c: {  	_ =	shalt  }
0x5d: {  	_ =	shalt  }
0x5e: {  	_ =	shalt  }
0x5f: {  	_ =	shalt  }
0x60: {  	_ =	shalt  }
0x61: {  	_ =	shalt  }
0x62: {  	_ =	shalt  }
0x63: {  	_ =	shalt  }
0x64: {  	_ =	shalt  }
0x65: {  	_ =	shalt  }
0x66: {  	_ =	shalt  }
0x67: {  	_ =	shalt  }
0x68: {  	_ =	shalt  }
0x69: {  	_ =	shalt  }
0x6a: {  	_ =	shalt  }
0x6b: {  	_ =	shalt  }
0x6c: {  	_ =	shalt  }
0x6d: {  	_ =	shalt  }
0x6e: {  	_ =	shalt  }
0x6f: {  	_ =	shalt  }
0x70: {  	_ =	shalt  }
0x71: {  	_ =	shalt  }
0x72: {  	_ =	shalt  }
0x73: {  	_ =	shalt  }
0x74: {  	_ =	shalt  }
0x75: {  	_ =	shalt  }
0x76: {  	_ =	shalt  }
0x77: {  	_ =	shalt  }
0x78: {  	_ =	shalt  }
0x79: {  	_ =	shalt  }
0x7a: {  	_ =	shalt  }
0x7b: {  	_ =	shalt  }
0x7c: {  	_ =	shalt  }
0x7d: {  	_ =	shalt  }
0x7e: {  	_ =	shalt  }
0x7f: {  	_ =	shalt  }
0x80: {  	_ =	shalt  }
0x81: {  	_ =	shalt  }
0x82: {  	_ =	shalt  }
0x83: {  	_ =	shalt  }
0x84: {  	_ =	shalt  }
0x85: {  	_ =	shalt  }
0x86: {  	_ =	shalt  }
0x87: {  	_ =	shalt  }
.Lfunc_end0:
.L_simem_size_0:
called_computation_lowered:
.L_overlay_start_0:
0x88: {  	s2 =	sld [smem:$0x3FD9]  }
0x89: {  	s3 =	sld [smem:$0x3FFE];
	_ =	sdelay $0x1  }
0x8a: {  	s1 =	srdreg.scid  }
0x8b: {  	s0 =	sand.u32 $0x1, s1  }
0x8c: {  	s18 =	sshll.u32 s0, $0xA;
	s2 =	sadd.s32 s3, s2  }
0x8d: {  	s2 =	sadd.s32 s2, s18  }
0x8e: {  	[smem:$0x3FC4] =	sst s2  }
0x8f: {  	_ = 	snop  }
0x90: {  	s2 =	sld [smem:$0x3FC9]  }
0x91: {  	s19 =	sld [smem:$0x3FC8]  }
0x92: {  	s4 =	sld [smem:$0x3FC7]  }
0x93: {  	s5 =	sld [smem:$0x3FC6]  }
0x94: {  	s6 =	sld [smem:$0x3FD0];
	(tm) =	ssettm $0x1  }
0x95: {  	s7 =	sld [smem:$0x3FFB];
	_ =	sdelay $0x3  }
0x96: {  	_ =	strace s7  }
0x97: {  	s7 =	sld [smem:$0x3FFC];
	_ =	sdelay $0x3  }
0x98: {  	_ =	strace s7  }
0x99: {  	s7 =	sld [smem:$0x3FFD];
	_ =	sdelay $0x3  }
0x9a: {  	_ =	strace s7  }
0x9b: {  	_ =	strace $0x8FFFFFFF  }
0x9c: {  	s20 =	sld [smem:$0x3FDB];
	_ =	sdelay $0x1  }
0x9d: {  	s8 =	simm.s32 $_scs_section_size  }
0x9e: {  	s9 =	simm.s32 $_size__tile_overlayer_lowered;
	s10 =	simm.s32 $_tile_overlayer_lowered  }
0x9f: {  	s23 =	simm.s32 $0x1BFF;
	s22 =	sshll.u32 s10, $0x1;
	s7 =	sadd.s32 s8, s20  }
0xa0: {  	s11 =	simm.s32 $0x0;
	s21 =	sshll.u32 s9, $0x1;
	s9 =	sadd.s32 s22, s7  }
0xa1: {  	[timem:s11], [sflag:s23] =	dma.local [hbm:s9], s21  }
0xa2: {  	_ =	swait.ge [sflag:s23], s21  }
0xa3: {  	s8 =	ssub.s32 $0x0, s21;
	[sflag:s23] =	ssyncset.done $0x0  }
0xa4: {  	[sflag:s23] =	ssyncadd.s32 s8;
	_ =	sdelay $0x1  }
0xa5: {  	s24 =	simm.s32 $0x1B8B  }
0xa6: {  	_ =	swait.ge [sflag:s24], $0x1  }
0xa7: {  	[sflag:s24] =	ssyncset.done $0x0  }
0xa8: {  	s25 =	simm.s32 $0x1B8E;
	[sflag:s24] =	ssyncadd.s32 $0xFFFFFFFF  }
0xa9: {  	s26 =	simm.s32 $execute0_lowered;
	[smem:$0x3FD2] =	sst s25  }
0xaa: {  	s8 =	sshll.u32 s26, $0x1;
	_ =	strace $0x80000046;
	[dreg:$0x1] =	wrdreg $0xFFFFFFFF  }
0xab: {  	s28 =	simm.s32 $_size_execute0_lowered;
	s7 =	sadd.s32 s7, s8;
	[dreg:$0x0] =	wrdreg $0x0  }
0xac: {  	s8 =	sshll.u32 s28, $0x1;
	[dreg:$0x2] =	wrdreg s7  }
0xad: {  	[dreg:$0x3] =	wrdreg s8  }
0xae: {  	[dreg:$0x4] =	wrdreg $0xC0  }
0xaf: {  	_ =	task [dreg:s11], $0x5FFFF  }
0xb0: {  	[dreg:$0x1] =	wrdreg $0xFFFFFFFF  }
0xb1: {  	[dreg:$0x0] =	wrdreg $0x60  }
0xb2: {  	[dreg:$0x2] =	wrdreg s2  }
0xb3: {  	[dreg:$0x3] =	wrdreg s19  }
0xb4: {  	[dreg:$0x4] =	wrdreg s4  }
0xb5: {  	[dreg:$0x5] =	wrdreg s5  }
0xb6: {  	[dreg:$0x6] =	wrdreg s6  }
0xb7: {  	[dreg:$0x7] =	wrdreg $0x9  }
0xb8: {  	_ =	task.clear_ibuf [dreg:s11], $0x8FFFF;
	_ =	strace $0x90000046  }
0xb9: {  	s29 =	simm.s32 $0x9;
	_ =	strace $0x80000048  }
0xba: {  	_ =	swait.ge [sflag:s29], $0x1  }
0xbb: {  	[sflag:s29] =	ssyncadd.s32 $0xFFFFFFFF  }
0xbc: {  	_ =	strace $0x90000048  }
0xbd: {  	_ =	sfence  }
0xbe: {  	s30 =	sld [smem:$0x0];
	_ =	sdelay $0x2  }
0xbf: {  	s31 =	sshll.u32 s1, $0xD;
	s1 =	sshrl.u32 s1, $0x2  }
0xc0: {  	s3 =	sand.u32 $0x4000, s31;
	s1 =	sadd.s32 s1, s30  }
0xc1: {  	s0 =	sor.u32 s3, s0;
	s1 =	sshll.u32 s1, $0x11  }
0xc2: {  	s0 =	sor.u32 s1, s0  }
0xc3: {  	s0 =	sadd.s32 $0x8F2B, s0  }
0xc4: {  	[sflag:s0] =	ssyncadd.remote.s32 $0x1  }
0xc5: {  	_ =	sfence.sel $0xFFFF  }
0xc6: {  	[dreg:$0x0] =	wrdreg $0xFFFFFFFF;
	(pc) =	sbr.abs _section_cstart, $3  }
0xc7: {  	[dreg:$0x1] =	wrdreg $0xFFFFFFFF  }
0xc8: {  	_ =	task.clear_ibuf [dreg:s11], $0x2FFFF;
	_ =	strace $0x9FFFFFFF  }
0xc9: {  	(tm) =	ssettm $0x7FFFFFFF  }
tec
execute0_lowered:
.L_overlay_start_1:
0x0: {  	(tag) =	ssettag $0x1  }
0x1: {  	s0 =	rddreg [dreg:$0x0]  }
0x2: {  	s1 =	rddreg [dreg:$0x1]  }
0x3: {  	s2 =	rddreg [dreg:$0x2];
	s3 =	srdreg.scid  }
0x4: {  	s7 =	rddreg [dreg:$0x4];
	s5 =	stileid.u32  }
0x5: {  	s11 =	simm.s32 $0x1;
	s12 =	simm.s32 $0x200;
	s13 =	simm.s32 $0x3400  }
0x6: {  	s10 =	simm.s32 $0x2C00;
	s14 =	simm.s32 $0x6000;
	s15 =	simm.s32 $0x2E00  }
0x7: {  	s16 =	simm.s32 $0x6200;
	s17 =	simm.s32 $0x3000;
	s18 =	simm.s32 $0x6400  }
0x8: {  	s19 =	simm.s32 $0x3200;
	s20 =	simm.s32 $0x6600;
	s21 =	simm.s32 $0x2  }
0x9: {  	s22 =	simm.s32 $0x3;
	s23 =	simm.s32 $0x8300;
	s3 =	sand.u32 $0x1, s3  }
0xa: {  	s24 =	simm.s32 $0x4;
	s25 =	simm.s32 $0x0;
	s4 =	sshll.u32 s3, $0x4  }
0xb: {  	s3 =	ssub.s32 $0x2, s3;
	s5 =	sor.u32 s5, s4;
	s4 =	simm.s32 $0x0  }
0xc: {  	s8 =	sshrl.u32 s3, $0x1;
	s6 =	smul.u32 $0x680, s5;
	[smem:$0x7FF] =	sst s4  }
0xd: {  	s9 =	smul.u32 $0x340, s5;
	s3 =	ssub.s32 s3, s8;
	s31 =	sshll.u32 s5, $0x6  }
0xe: {  	v1 =	vlaneseq.u32;
	_ =	strace $0x80000047;
	s7 =	sadd.s32 s7, s31;
	s8 =	smax.u32 s3, $0x1  }
0xf: {  	v0 =	vmul.u32 $0x1A, v1;
	s3 =	simm.s32 $0x5E00;
	s5 =	sadd.s32 s1, s6;
	s6 =	sadd.s32 s2, s9  }
0x10: {  	v1 =	vmul.u32 $0xD, v1;
	s9 =	simm.s32 $0x6800;
	s1 =	simm.s32 $0x5C00;
	s2 =	simm.s32 $0x2A00  }
.LBB2_1:
0x11: {  	[tilespmem:s4], [sflag:$0x1] =	stream.linear.gather [hbm4b:s5+s4], $0x3400, $0x38;
	[tilespmem:$0x8500] =	vst v63  }
0x12: {  	_ = 	snop  }
0x13: {  	[tilespmem:s9], [sflag:$0x2] =	stream.linear.gather [hbm4b:s6+s4], $0x1A00, $0x38;
	[tilespmem:$0x8500] =	vst v63  }
0x14: {  	s26 =	rddreg [dreg:$0x3];
	s28 =	simm.s32 $0x8200  }
0x15: {  	[tilespmem:s28], [sflag:$0x2] =	stream.linear.gather [hbm4b:s26+s4], $0x100, $0x38;
	[tilespmem:$0x8500] =	vst v63  }
0x16: {  	_ =	swait.ge [sflag:s11], $0x3400  }
0x17: {  	[sflag:s11] =	ssyncset.done $0x0  }
0x18: {  	[sflag:s11] =	ssyncadd.s32 $0xFFFFCC00  }
0x19: {  	[tilespmem:s13], [sflag:$0x3] =	stream.indirect.gather [hbm4b:s0+s12], $0x1, s4, s12, $0xb8;
	[tilespmem:$0x8500] =	vst v63  }
0x1a: {  	s26 =	simm.s32 $0x3600  }
0x1b: {  	[tilespmem:s26], [sflag:$0x3] =	stream.indirect.gather [hbm4b:s0+s12], $0x1, s12, s12, $0xb8;
	[tilespmem:$0x8500] =	vst v63  }
0x1c: {  	s28 =	simm.s32 $0x3800;
	s26 =	simm.s32 $0x400  }
0x1d: {  	[tilespmem:s28], [sflag:$0x3] =	stream.indirect.gather [hbm4b:s0+s12], $0x1, s26, s12, $0xb8;
	[tilespmem:$0x8500] =	vst v63  }
0x1e: {  	s26 =	simm.s32 $0x600;
	s28 =	simm.s32 $0x3A00  }
0x1f: {  	[tilespmem:s28], [sflag:$0x3] =	stream.indirect.gather [hbm4b:s0+s12], $0x1, s26, s12, $0xb8;
	[tilespmem:$0x8500] =	vst v63  }
0x20: {  	s26 =	simm.s32 $0x800;
	s28 =	simm.s32 $0x3C00  }
0x21: {  	[tilespmem:s28], [sflag:$0x3] =	stream.indirect.gather [hbm4b:s0+s12], $0x1, s26, s12, $0xb8;
	[tilespmem:$0x8500] =	vst v63  }
0x22: {  	s26 =	simm.s32 $0xA00;
	s28 =	simm.s32 $0x3E00  }
0x23: {  	[tilespmem:s28], [sflag:$0x3] =	stream.indirect.gather [hbm4b:s0+s12], $0x1, s26, s12, $0xb8;
	[tilespmem:$0x8500] =	vst v63  }
0x24: {  	s26 =	simm.s32 $0xC00;
	s28 =	simm.s32 $0x4000  }
0x25: {  	[tilespmem:s28], [sflag:$0x3] =	stream.indirect.gather [hbm4b:s0+s12], $0x1, s26, s12, $0xb8;
	[tilespmem:$0x8500] =	vst v63  }
0x26: {  	s26 =	simm.s32 $0xE00;
	s28 =	simm.s32 $0x4200  }
0x27: {  	[tilespmem:s28], [sflag:$0x3] =	stream.indirect.gather [hbm4b:s0+s12], $0x1, s26, s12, $0xb8;
	[tilespmem:$0x8500] =	vst v63  }
0x28: {  	s26 =	simm.s32 $0x1000;
	s28 =	simm.s32 $0x4400  }
0x29: {  	[tilespmem:s28], [sflag:$0x3] =	stream.indirect.gather [hbm4b:s0+s12], $0x1, s26, s12, $0xb8;
	[tilespmem:$0x8500] =	vst v63  }
0x2a: {  	s26 =	simm.s32 $0x1200;
	s28 =	simm.s32 $0x4600  }
0x2b: {  	[tilespmem:s28], [sflag:$0x3] =	stream.indirect.gather [hbm4b:s0+s12], $0x1, s26, s12, $0xb8;
	[tilespmem:$0x8500] =	vst v63  }
0x2c: {  	s26 =	simm.s32 $0x1400;
	s28 =	simm.s32 $0x4800  }
0x2d: {  	[tilespmem:s28], [sflag:$0x3] =	stream.indirect.gather [hbm4b:s0+s12], $0x1, s26, s12, $0xb8;
	[tilespmem:$0x8500] =	vst v63  }
0x2e: {  	s26 =	simm.s32 $0x1600;
	s28 =	simm.s32 $0x4A00  }
0x2f: {  	[tilespmem:s28], [sflag:$0x3] =	stream.indirect.gather [hbm4b:s0+s12], $0x1, s26, s12, $0xb8;
	[tilespmem:$0x8500] =	vst v63  }
0x30: {  	s26 =	simm.s32 $0x1800;
	s28 =	simm.s32 $0x4C00  }
0x31: {  	[tilespmem:s28], [sflag:$0x3] =	stream.indirect.gather [hbm4b:s0+s12], $0x1, s26, s12, $0xb8;
	[tilespmem:$0x8500] =	vst v63  }
0x32: {  	s26 =	simm.s32 $0x1A00;
	s28 =	simm.s32 $0x4E00  }
0x33: {  	[tilespmem:s28], [sflag:$0x3] =	stream.indirect.gather [hbm4b:s0+s12], $0x1, s26, s12, $0xb8;
	[tilespmem:$0x8500] =	vst v63  }
0x34: {  	s26 =	simm.s32 $0x1C00;
	s28 =	simm.s32 $0x5000  }
0x35: {  	[tilespmem:s28], [sflag:$0x3] =	stream.indirect.gather [hbm4b:s0+s12], $0x1, s26, s12, $0xb8;
	[tilespmem:$0x8500] =	vst v63  }
0x36: {  	s26 =	simm.s32 $0x1E00;
	s28 =	simm.s32 $0x5200  }
0x37: {  	[tilespmem:s28], [sflag:$0x3] =	stream.indirect.gather [hbm4b:s0+s12], $0x1, s26, s12, $0xb8;
	[tilespmem:$0x8500] =	vst v63  }
0x38: {  	s26 =	simm.s32 $0x2000;
	s28 =	simm.s32 $0x5400  }
0x39: {  	[tilespmem:s28], [sflag:$0x3] =	stream.indirect.gather [hbm4b:s0+s12], $0x1, s26, s12, $0xb8;
	[tilespmem:$0x8500] =	vst v63  }
0x3a: {  	s26 =	simm.s32 $0x2200;
	s28 =	simm.s32 $0x5600  }
0x3b: {  	[tilespmem:s28], [sflag:$0x3] =	stream.indirect.gather [hbm4b:s0+s12], $0x1, s26, s12, $0xb8;
	[tilespmem:$0x8500] =	vst v63  }
0x3c: {  	s26 =	simm.s32 $0x2400;
	s28 =	simm.s32 $0x5800  }
0x3d: {  	[tilespmem:s28], [sflag:$0x3] =	stream.indirect.gather [hbm4b:s0+s12], $0x1, s26, s12, $0xb8;
	[tilespmem:$0x8500] =	vst v63  }
0x3e: {  	s26 =	simm.s32 $0x2600;
	s28 =	simm.s32 $0x5A00  }
0x3f: {  	[tilespmem:s28], [sflag:$0x3] =	stream.indirect.gather [hbm4b:s0+s12], $0x1, s26, s12, $0xb8;
	[tilespmem:$0x8500] =	vst v63  }
0x40: {  	s26 =	simm.s32 $0x2800  }
0x41: {  	[tilespmem:s1], [sflag:$0x3] =	stream.indirect.gather [hbm4b:s0+s12], $0x1, s26, s12, $0xb8;
	[tilespmem:$0x8500] =	vst v63  }
0x42: {  	_ = 	snop  }
0x43: {  	[tilespmem:s3], [sflag:$0x3] =	stream.indirect.gather [hbm4b:s0+s12], $0x1, s2, s12, $0xb8;
	[tilespmem:$0x8500] =	vst v63  }
0x44: {  	_ = 	snop  }
0x45: {  	[tilespmem:s14], [sflag:$0x3] =	stream.indirect.gather [hbm4b:s0+s12], $0x1, s10, s12, $0xb8;
	[tilespmem:$0x8500] =	vst v63  }
0x46: {  	_ = 	snop  }
0x47: {  	[tilespmem:s16], [sflag:$0x3] =	stream.indirect.gather [hbm4b:s0+s12], $0x1, s15, s12, $0xb8;
	[tilespmem:$0x8500] =	vst v63  }
0x48: {  	_ = 	snop  }
0x49: {  	[tilespmem:s18], [sflag:$0x3] =	stream.indirect.gather [hbm4b:s0+s12], $0x1, s17, s12, $0xb8;
	[tilespmem:$0x8500] =	vst v63  }
0x4a: {  	_ = 	snop  }
0x4b: {  	[tilespmem:s20], [sflag:$0x3] =	stream.indirect.gather [hbm4b:s0+s12], $0x1, s19, s12, $0xb8;
	[tilespmem:$0x8500] =	vst v63  }
0x4c: {  	_ =	swait.ge [sflag:s21], $0x1A00  }
0x4d: {  	[sflag:s21] =	ssyncset.done $0x0  }
0x4e: {  	[sflag:s21] =	ssyncadd.s32 $0xFFFFE600  }
0x4f: {  	_ =	swait.ge [sflag:s21], $0x100  }
0x50: {  	s26 =	simm.s32 $0x0;
	[sflag:s21] =	ssyncset.done $0x0  }
0x51: {  	v2 =	vadd.s32 s26, v0;
	[sflag:s21] =	ssyncadd.s32 $0xFFFFFF00  }
0x52: {  	s26 =	simm.s32 $0x1;
	_ =	swait.ge [sflag:s22], $0x3400  }
0x53: {  	v3 =	vadd.s32 s26, v0;
	[sflag:s22] =	ssyncset.done $0x0  }
0x54: {  	s26 =	simm.s32 $0x2;
	[sflag:s22] =	ssyncadd.s32 $0xFFFFCC00  }
0x55: {  	v4 =	vadd.s32 s26, v0;
	v9 =	vld [tilespmem:$0x82D0]  }
0x56: {  	s26 =	simm.s32 $0x3;
	v2 =	vld.idx.msk [tilespmem:v2+s13+$0x0], $0xffff  }
0x57: {  	v5 =	vadd.s32 s26, v0  }
0x58: {  	s26 =	simm.s32 $0x4;
	v3 =	vld.idx.msk [tilespmem:v3+s13+$0x0], $0xffff  }
0x59: {  	v6 =	vadd.s32 s26, v0  }
0x5a: {  	s26 =	simm.s32 $0x5;
	v4 =	vld.idx.msk [tilespmem:v4+s13+$0x0], $0xffff  }
0x5b: {  	v7 =	vadd.s32 s26, v0;
	v2 =	vadd.f32 v2, v9  }
0x5c: {  	s26 =	simm.s32 $0x6;
	v5 =	vld.idx.msk [tilespmem:v5+s13+$0x0], $0xffff  }
0x5d: {  	v8 =	vadd.s32 s26, v0;
	v2 =	vadd.f32 v3, v2  }
0x5e: {  	s26 =	simm.s32 $0x7;
	v3 =	vld.idx.msk [tilespmem:v6+s13+$0x0], $0xffff  }
0x5f: {  	v6 =	vadd.s32 s26, v0;
	v2 =	vadd.f32 v4, v2  }
0x60: {  	s26 =	simm.s32 $0x8;
	v4 =	vld.idx.msk [tilespmem:v7+s13+$0x0], $0xffff  }
0x61: {  	v7 =	vadd.s32 s26, v0;
	v2 =	vadd.f32 v5, v2  }
0x62: {  	s26 =	simm.s32 $0x9;
	v5 =	vld.idx.msk [tilespmem:v8+s13+$0x0], $0xffff  }
0x63: {  	v8 =	vadd.s32 s26, v0;
	v2 =	vadd.f32 v3, v2  }
0x64: {  	s26 =	simm.s32 $0xA;
	v3 =	vld.idx.msk [tilespmem:v6+s13+$0x0], $0xffff  }
0x65: {  	v6 =	vadd.s32 s26, v0;
	v2 =	vadd.f32 v4, v2  }
0x66: {  	s26 =	simm.s32 $0xB;
	v4 =	vld.idx.msk [tilespmem:v7+s13+$0x0], $0xffff  }
0x67: {  	v7 =	vadd.s32 s26, v0;
	v2 =	vadd.f32 v5, v2  }
0x68: {  	s26 =	simm.s32 $0xC;
	v5 =	vld.idx.msk [tilespmem:v8+s13+$0x0], $0xffff  }
0x69: {  	v8 =	vadd.s32 s26, v0;
	v2 =	vadd.f32 v3, v2  }
0x6a: {  	s26 =	simm.s32 $0xD;
	v3 =	vld.idx.msk [tilespmem:v6+s13+$0x0], $0xffff  }
0x6b: {  	v6 =	vadd.s32 s26, v0;
	v2 =	vadd.f32 v4, v2  }
0x6c: {  	s26 =	simm.s32 $0xE;
	v4 =	vld.idx.msk [tilespmem:v7+s13+$0x0], $0xffff  }
0x6d: {  	v7 =	vadd.s32 s26, v0;
	v2 =	vadd.f32 v5, v2  }
0x6e: {  	s26 =	simm.s32 $0xF;
	v5 =	vld.idx.msk [tilespmem:v8+s13+$0x0], $0xffff  }
0x6f: {  	v8 =	vadd.s32 s26, v0;
	v2 =	vadd.f32 v3, v2  }
0x70: {  	s26 =	simm.s32 $0x10;
	v3 =	vld.idx.msk [tilespmem:v6+s13+$0x0], $0xffff  }
0x71: {  	v6 =	vadd.s32 s26, v0;
	v2 =	vadd.f32 v4, v2  }
0x72: {  	s26 =	simm.s32 $0x11;
	v4 =	vld.idx.msk [tilespmem:v7+s13+$0x0], $0xffff  }
0x73: {  	v7 =	vadd.s32 s26, v0;
	v2 =	vadd.f32 v5, v2  }
0x74: {  	s26 =	simm.s32 $0x12;
	v5 =	vld.idx.msk [tilespmem:v8+s13+$0x0], $0xffff  }
0x75: {  	v8 =	vadd.s32 s26, v0;
	v2 =	vadd.f32 v3, v2  }
0x76: {  	s26 =	simm.s32 $0x13;
	v3 =	vld.idx.msk [tilespmem:v6+s13+$0x0], $0xffff  }
0x77: {  	v6 =	vadd.s32 s26, v0;
	v2 =	vadd.f32 v4, v2  }
0x78: {  	s26 =	simm.s32 $0x14;
	v4 =	vld.idx.msk [tilespmem:v7+s13+$0x0], $0xffff  }
0x79: {  	v7 =	vadd.s32 s26, v0;
	v2 =	vadd.f32 v5, v2  }
0x7a: {  	s26 =	simm.s32 $0x15;
	v5 =	vld.idx.msk [tilespmem:v8+s13+$0x0], $0xffff  }
0x7b: {  	v8 =	vadd.s32 s26, v0;
	v2 =	vadd.f32 v3, v2  }
0x7c: {  	s26 =	simm.s32 $0x16;
	v3 =	vld.idx.msk [tilespmem:v6+s13+$0x0], $0xffff  }
0x7d: {  	v6 =	vadd.s32 s26, v0;
	v2 =	vadd.f32 v4, v2  }
0x7e: {  	s26 =	simm.s32 $0x17;
	v4 =	vld.idx.msk [tilespmem:v7+s13+$0x0], $0xffff  }
0x7f: {  	v7 =	vadd.s32 s26, v0;
	v2 =	vadd.f32 v5, v2  }
0x80: {  	s26 =	simm.s32 $0x18;
	v5 =	vld.idx.msk [tilespmem:v8+s13+$0x0], $0xffff  }
0x81: {  	v8 =	vadd.s32 s26, v0;
	s26 =	simm.s32 $0x0;
	v2 =	vadd.f32 v3, v2  }
0x82: {  	s28 =	simm.s32 $0x19;
	v10 =	vadd.s32 s26, v1;
	v3 =	vld.idx.msk [tilespmem:v6+s13+$0x0], $0xffff  }
0x83: {  	s26 =	simm.s32 $0x1;
	v6 =	vadd.s32 s28, v0;
	v4 =	vadd.f32 v4, v2  }
0x84: {  	v11 =	vadd.s32 s26, v1;
	v7 =	vld.idx.msk [tilespmem:v7+s13+$0x0], $0xffff  }
0x85: {  	v2 =	vld [tilespmem:$0x8200];
	v4 =	vadd.f32 v5, v4  }
0x86: {  	s26 =	simm.s32 $0x2;
	v5 =	vld.idx.msk [tilespmem:v8+s13+$0x0], $0xffff  }
0x87: {  	v8 =	vadd.s32 s26, v1;
	v10 =	vld.idx.msk [tilespmem:v10+s9+$0x0], $0xffff;
	v4 =	vadd.f32 v3, v4  }
0x88: {  	s26 =	simm.s32 $0x3;
	v6 =	vld.idx.msk [tilespmem:v6+s13+$0x0], $0xffff  }
0x89: {  	v12 =	vadd.s32 s26, v1;
	v11 =	vld.idx.msk [tilespmem:v11+s9+$0x0], $0xffff;
	s26 =	simm.s32 $0x4;
	v7 =	vadd.f32 v7, v4  }
0x8a: {  	v3 =	vld [tilespmem:$0x8210];
	v13 =	vadd.s32 s26, v1  }
0x8b: {  	s26 =	simm.s32 $0x5;
	v4 =	vld [tilespmem:$0x8220];
	v7 =	vadd.f32 v5, v7  }
0x8c: {  	v14 =	vadd.s32 s26, v1;
	v8 =	vld.idx.msk [tilespmem:v8+s9+$0x0], $0xffff  }
0x8d: {  	s26 =	simm.s32 $0x6;
	v10 =	vmul.f32 v10, v2;
	v5 =	vld [tilespmem:$0x8230];
	v7 =	vadd.f32 v6, v7  }
0x8e: {  	v15 =	vadd.s32 s26, v1;
	v12 =	vld.idx.msk [tilespmem:v12+s9+$0x0], $0xffff  }
0x8f: {  	s26 =	simm.s32 $0x7;
	v11 =	vmul.f32 v11, v3;
	v13 =	vld.idx.msk [tilespmem:v13+s9+$0x0], $0xffff;
	v10 =	vadd.f32 v10, v7  }
0x90: {  	v16 =	vadd.s32 s26, v1;
	v6 =	vld [tilespmem:$0x8240]  }
0x91: {  	s26 =	simm.s32 $0x8;
	v14 =	vld.idx.msk [tilespmem:v14+s9+$0x0], $0xffff;
	v10 =	vadd.f32 v11, v10;
	v11 =	vmul.f32 v8, v4  }
0x92: {  	v17 =	vadd.s32 s26, v1;
	v7 =	vld [tilespmem:$0x8250]  }
0x93: {  	s26 =	simm.s32 $0x9;
	v15 =	vld.idx.msk [tilespmem:v15+s9+$0x0], $0xffff;
	v12 =	vmul.f32 v12, v5;
	v11 =	vadd.f32 v11, v10  }
0x94: {  	v18 =	vadd.s32 s26, v1;
	v8 =	vld [tilespmem:$0x8260]  }
0x95: {  	s26 =	simm.s32 $0xA;
	v16 =	vld.idx.msk [tilespmem:v16+s9+$0x0], $0xffff;
	v13 =	vmul.f32 v13, v6;
	v12 =	vadd.f32 v12, v11  }
0x96: {  	v19 =	vadd.s32 s26, v1;
	v10 =	vld [tilespmem:$0x8270]  }
0x97: {  	s26 =	simm.s32 $0xB;
	v17 =	vld.idx.msk [tilespmem:v17+s9+$0x0], $0xffff;
	v14 =	vmul.f32 v14, v7;
	v13 =	vadd.f32 v13, v12  }
0x98: {  	v20 =	vadd.s32 s26, v1;
	v11 =	vld [tilespmem:$0x8280]  }
0x99: {  	v18 =	vld.idx.msk [tilespmem:v18+s9+$0x0], $0xffff;
	v15 =	vmul.f32 v15, v8;
	v14 =	vadd.f32 v14, v13  }
0x9a: {  	s26 =	simm.s32 $0xC;
	v12 =	vld [tilespmem:$0x8290]  }
0x9b: {  	v21 =	vadd.s32 s26, v1;
	v19 =	vld.idx.msk [tilespmem:v19+s9+$0x0], $0xffff;
	v16 =	vmul.f32 v16, v10;
	v15 =	vadd.f32 v15, v14  }
0x9c: {  	v13 =	vld [tilespmem:$0x82A0]  }
0x9d: {  	v20 =	vld.idx.msk [tilespmem:v20+s9+$0x0], $0xffff;
	v17 =	vmul.f32 v17, v11;
	v16 =	vadd.f32 v16, v15  }
0x9e: {  	v14 =	vld [tilespmem:$0x82B0]  }
0x9f: {  	v15 =	vld [tilespmem:$0x82C0];
	v16 =	vadd.f32 v17, v16;
	v17 =	vmul.f32 v18, v12  }
0xa0: {  	v18 =	vld.idx.msk [tilespmem:v21+s9+$0x0], $0xffff  }
0xa1: {  	v16 =	vadd.f32 v17, v16;
	v17 =	vmul.f32 v19, v13;
	_ =	sdelay $0x1  }
0xa2: {  	v16 =	vadd.f32 v17, v16;
	v17 =	vmul.f32 v20, v14  }
0xa3: {  	s26 =	simm.s32 $0x1A0  }
0xa4: {  	v19 =	vadd.s32 s26, v0;
	v16 =	vadd.f32 v17, v16;
	v17 =	vmul.f32 v18, v15  }
0xa5: {  	s26 =	simm.s32 $0x1A1  }
0xa6: {  	v18 =	vadd.s32 s26, v0;
	v16 =	vadd.f32 v17, v16  }
0xa7: {  	s26 =	simm.s32 $0x1A2  }
0xa8: {  	v17 =	vadd.s32 s26, v0;
	[tilespmem:s23+$0x0] =	vst v16  }
0xa9: {  	s26 =	simm.s32 $0x1A3;
	v16 =	vld.idx.msk [tilespmem:v19+s13+$0x0], $0xffff  }
0xaa: {  	v19 =	vadd.s32 s26, v0  }
0xab: {  	v18 =	vld.idx.msk [tilespmem:v18+s13+$0x0], $0xffff;
	s26 =	simm.s32 $0x1A4  }
0xac: {  	v20 =	vadd.s32 s26, v0  }
0xad: {  	s26 =	simm.s32 $0x1A5;
	v17 =	vld.idx.msk [tilespmem:v17+s13+$0x0], $0xffff  }
0xae: {  	v39 =	vadd.s32 s26, v0;
	v16 =	vadd.f32 v16, v9  }
0xaf: {  	s26 =	simm.s32 $0x1A6;
	v19 =	vld.idx.msk [tilespmem:v19+s13+$0x0], $0xffff  }
0xb0: {  	v22 =	vadd.s32 s26, v0;
	v16 =	vadd.f32 v18, v16  }
0xb1: {  	s26 =	simm.s32 $0x1A7;
	v18 =	vld.idx.msk [tilespmem:v20+s13+$0x0], $0xffff  }
0xb2: {  	v20 =	vadd.s32 s26, v0;
	v16 =	vadd.f32 v17, v16  }
0xb3: {  	s26 =	simm.s32 $0x1A8;
	v17 =	vld.idx.msk [tilespmem:v39+s13+$0x0], $0xffff  }
0xb4: {  	v40 =	vadd.s32 s26, v0;
	v16 =	vadd.f32 v19, v16  }
0xb5: {  	s26 =	simm.s32 $0x1A9;
	v19 =	vld.idx.msk [tilespmem:v22+s13+$0x0], $0xffff  }
0xb6: {  	v41 =	vadd.s32 s26, v0;
	v16 =	vadd.f32 v18, v16  }
0xb7: {  	s26 =	simm.s32 $0x1AA;
	v18 =	vld.idx.msk [tilespmem:v20+s13+$0x0], $0xffff  }
0xb8: {  	v20 =	vadd.s32 s26, v0;
	v16 =	vadd.f32 v17, v16  }
0xb9: {  	s26 =	simm.s32 $0x1AB;
	v17 =	vld.idx.msk [tilespmem:v40+s13+$0x0], $0xffff  }
0xba: {  	v42 =	vadd.s32 s26, v0;
	v16 =	vadd.f32 v19, v16  }
0xbb: {  	s26 =	simm.s32 $0x1AC;
	v19 =	vld.idx.msk [tilespmem:v41+s13+$0x0], $0xffff  }
0xbc: {  	v43 =	vadd.s32 s26, v0;
	v16 =	vadd.f32 v18, v16  }
0xbd: {  	s26 =	simm.s32 $0x1AD;
	v18 =	vld.idx.msk [tilespmem:v20+s13+$0x0], $0xffff  }
0xbe: {  	v20 =	vadd.s32 s26, v0;
	v16 =	vadd.f32 v17, v16  }
0xbf: {  	s26 =	simm.s32 $0x1AE;
	v17 =	vld.idx.msk [tilespmem:v42+s13+$0x0], $0xffff  }
0xc0: {  	v44 =	vadd.s32 s26, v0;
	v16 =	vadd.f32 v19, v16  }
0xc1: {  	s26 =	simm.s32 $0x1AF;
	v19 =	vld.idx.msk [tilespmem:v43+s13+$0x0], $0xffff  }
0xc2: {  	v45 =	vadd.s32 s26, v0;
	v16 =	vadd.f32 v18, v16  }
0xc3: {  	s26 =	simm.s32 $0x1B0;
	v18 =	vld.idx.msk [tilespmem:v20+s13+$0x0], $0xffff  }
0xc4: {  	v20 =	vadd.s32 s26, v0;
	v16 =	vadd.f32 v17, v16  }
0xc5: {  	s26 =	simm.s32 $0x1B1;
	v17 =	vld.idx.msk [tilespmem:v44+s13+$0x0], $0xffff  }
0xc6: {  	v46 =	vadd.s32 s26, v0;
	v16 =	vadd.f32 v19, v16  }
0xc7: {  	s26 =	simm.s32 $0x1B2;
	v19 =	vld.idx.msk [tilespmem:v45+s13+$0x0], $0xffff  }
0xc8: {  	v47 =	vadd.s32 s26, v0;
	v16 =	vadd.f32 v18, v16  }
0xc9: {  	s26 =	simm.s32 $0x1B3;
	v18 =	vld.idx.msk [tilespmem:v20+s13+$0x0], $0xffff  }
0xca: {  	v20 =	vadd.s32 s26, v0;
	v16 =	vadd.f32 v17, v16  }
0xcb: {  	s26 =	simm.s32 $0x1B4;
	v17 =	vld.idx.msk [tilespmem:v46+s13+$0x0], $0xffff  }
0xcc: {  	v48 =	vadd.s32 s26, v0;
	v16 =	vadd.f32 v19, v16  }
0xcd: {  	s26 =	simm.s32 $0x1B5;
	v19 =	vld.idx.msk [tilespmem:v47+s13+$0x0], $0xffff  }
0xce: {  	v49 =	vadd.s32 s26, v0;
	v16 =	vadd.f32 v18, v16  }
0xcf: {  	s26 =	simm.s32 $0x1B6;
	v18 =	vld.idx.msk [tilespmem:v20+s13+$0x0], $0xffff  }
0xd0: {  	v20 =	vadd.s32 s26, v0;
	v16 =	vadd.f32 v17, v16  }
0xd1: {  	s26 =	simm.s32 $0x1B7;
	v17 =	vld.idx.msk [tilespmem:v48+s13+$0x0], $0xffff  }
0xd2: {  	v50 =	vadd.s32 s26, v0;
	v16 =	vadd.f32 v19, v16  }
0xd3: {  	s26 =	simm.s32 $0x1B8;
	v19 =	vld.idx.msk [tilespmem:v49+s13+$0x0], $0xffff  }
0xd4: {  	s28 =	simm.s32 $0x1B9;
	v51 =	vadd.s32 s26, v0;
	v16 =	vadd.f32 v18, v16  }
0xd5: {  	s26 =	simm.s32 $0xD0;
	v18 =	vld.idx.msk [tilespmem:v20+s13+$0x0], $0xffff;
	v20 =	vadd.s32 s28, v0  }
0xd6: {  	v23 =	vadd.s32 s26, v1;
	v16 =	vadd.f32 v17, v16  }
0xd7: {  	s26 =	simm.s32 $0xD1;
	v17 =	vld.idx.msk [tilespmem:v50+s13+$0x0], $0xffff  }
0xd8: {  	v52 =	vadd.s32 s26, v1;
	v16 =	vadd.f32 v19, v16  }
0xd9: {  	s26 =	simm.s32 $0xD2;
	v19 =	vld.idx.msk [tilespmem:v51+s13+$0x0], $0xffff  }
0xda: {  	v53 =	vadd.s32 s26, v1;
	v20 =	vld.idx.msk [tilespmem:v20+s13+$0x0], $0xffff;
	v16 =	vadd.f32 v18, v16  }
0xdb: {  	s26 =	simm.s32 $0xD3;
	v18 =	vld.idx.msk [tilespmem:v23+s9+$0x0], $0xffff  }
0xdc: {  	v54 =	vadd.s32 s26, v1;
	v16 =	vadd.f32 v17, v16  }
0xdd: {  	s26 =	simm.s32 $0xD4;
	v17 =	vld.idx.msk [tilespmem:v52+s9+$0x0], $0xffff  }
0xde: {  	v55 =	vadd.s32 s26, v1;
	v16 =	vadd.f32 v19, v16  }
0xdf: {  	s26 =	simm.s32 $0xD5;
	v19 =	vld.idx.msk [tilespmem:v53+s9+$0x0], $0xffff  }
0xe0: {  	v56 =	vadd.s32 s26, v1;
	v18 =	vmul.f32 v18, v2;
	v16 =	vadd.f32 v20, v16  }
0xe1: {  	s26 =	simm.s32 $0xD6;
	v20 =	vld.idx.msk [tilespmem:v54+s9+$0x0], $0xffff  }
0xe2: {  	v57 =	vadd.s32 s26, v1;
	v17 =	vmul.f32 v17, v3;
	v16 =	vadd.f32 v18, v16  }
0xe3: {  	s26 =	simm.s32 $0xD7;
	v18 =	vld.idx.msk [tilespmem:v55+s9+$0x0], $0xffff  }
0xe4: {  	v58 =	vadd.s32 s26, v1;
	v16 =	vadd.f32 v17, v16;
	v17 =	vmul.f32 v19, v4  }
0xe5: {  	s26 =	simm.s32 $0xD8;
	v19 =	vld.idx.msk [tilespmem:v56+s9+$0x0], $0xffff  }
0xe6: {  	v59 =	vadd.s32 s26, v1;
	v16 =	vadd.f32 v17, v16;
	v17 =	vmul.f32 v20, v5  }
0xe7: {  	v20 =	vld.idx.msk [tilespmem:v57+s9+$0x0], $0xffff  }
0xe8: {  	s26 =	simm.s32 $0xD9;
	v16 =	vadd.f32 v17, v16;
	v17 =	vmul.f32 v18, v6  }
0xe9: {  	v60 =	vadd.s32 s26, v1;
	v18 =	vld.idx.msk [tilespmem:v58+s9+$0x0], $0xffff  }
0xea: {  	v16 =	vadd.f32 v17, v16;
	v17 =	vmul.f32 v19, v7  }
0xeb: {  	s26 =	simm.s32 $0xDA;
	v19 =	vld.idx.msk [tilespmem:v59+s9+$0x0], $0xffff  }
0xec: {  	v61 =	vadd.s32 s26, v1;
	v16 =	vadd.f32 v17, v16;
	v17 =	vmul.f32 v20, v8  }
0xed: {  	s26 =	simm.s32 $0xDB  }
0xee: {  	v62 =	vadd.s32 s26, v1;
	v20 =	vld.idx.msk [tilespmem:v60+s9+$0x0], $0xffff;
	v16 =	vadd.f32 v17, v16;
	v17 =	vmul.f32 v18, v10  }
0xef: {  	s26 =	simm.s32 $0xDC  }
0xf0: {  	v16 =	vadd.f32 v17, v16;
	v17 =	vmul.f32 v19, v11;
	v19 =	vadd.s32 s26, v1  }
0xf1: {  	v18 =	vld.idx.msk [tilespmem:v61+s9+$0x0], $0xffff;
	_ =	sdelay $0x1  }
0xf2: {  	v63 =	vld.idx.msk [tilespmem:v62+s9+$0x0], $0xffff;
	v16 =	vadd.f32 v17, v16;
	v17 =	vmul.f32 v20, v12;
	_ =	sdelay $0x1  }
0xf3: {  	v17 =	vadd.f32 v17, v16;
	v16 =	vld.idx.msk [tilespmem:v19+s9+$0x0], $0xffff  }
0xf4: {  	v18 =	vmul.f32 v18, v13;
	_ =	sdelay $0x1  }
0xf5: {  	s31 =	simm.s32 $0x340;
	v17 =	vadd.f32 v18, v17;
	v18 =	vmul.f32 v63, v14  }
0xf6: {  	s30 =	simm.s32 $0x4F9;
	s29 =	simm.s32 $0x8300;
	s28 =	simm.s32 $0x359  }
.LBB2_2:
0xf7: {  	p0 =	sne.s32 s30, $0x3279;
	v19 =	vadd.s32 s31, v0;
	v17 =	vadd.f32 v18, v17;
	v16 =	vmul.f32 v16, v15  }
0xf8: {  	s31 =	sadd.s32 $0xFFFFFFE8, s28  }
0xf9: {  	v18 =	vadd.s32 s31, v0;
	v16 =	vadd.f32 v16, v17  }
0xfa: {  	s29 =	sadd.s32 $0x10, s29;
	s31 =	sadd.s32 $0xFFFFFFE9, s28  }
0xfb: {  	v17 =	vadd.s32 s31, v0;
	[tilespmem:s29+$0x0] =	vst v16  }
0xfc: {  	s31 =	sadd.s32 $0xFFFFFFEA, s28;
	v16 =	vld.idx.msk [tilespmem:v19+s13+$0x0], $0xffff  }
0xfd: {  	v19 =	vadd.s32 s31, v0  }
0xfe: {  	s31 =	sadd.s32 $0xFFFFFFEB, s28;
	v18 =	vld.idx.msk [tilespmem:v18+s13+$0x0], $0xffff  }
0xff: {  	v20 =	vadd.s32 s31, v0  }
0x100: {  	s31 =	sadd.s32 $0xFFFFFFEC, s28;
	v17 =	vld.idx.msk [tilespmem:v17+s13+$0x0], $0xffff  }
0x101: {  	v21 =	vadd.s32 s31, v0  }
0x102: {  	s31 =	sadd.s32 $0xFFFFFFED, s28;
	v16 =	vadd.f32 v16, v9;
	v19 =	vld.idx.msk [tilespmem:v19+s13+$0x0], $0xffff  }
0x103: {  	v22 =	vadd.s32 s31, v0  }
0x104: {  	s31 =	sadd.s32 $0xFFFFFFEE, s28;
	v16 =	vadd.f32 v18, v16;
	v18 =	vld.idx.msk [tilespmem:v20+s13+$0x0], $0xffff  }
0x105: {  	v20 =	vadd.s32 s31, v0  }
0x106: {  	s31 =	sadd.s32 $0xFFFFFFEF, s28;
	v16 =	vadd.f32 v17, v16;
	v17 =	vld.idx.msk [tilespmem:v21+s13+$0x0], $0xffff  }
0x107: {  	v21 =	vadd.s32 s31, v0  }
0x108: {  	s31 =	sadd.s32 $0xFFFFFFF0, s28;
	v16 =	vadd.f32 v19, v16;
	v19 =	vld.idx.msk [tilespmem:v22+s13+$0x0], $0xffff  }
0x109: {  	v22 =	vadd.s32 s31, v0  }
0x10a: {  	s31 =	sadd.s32 $0xFFFFFFF1, s28;
	v16 =	vadd.f32 v18, v16;
	v18 =	vld.idx.msk [tilespmem:v20+s13+$0x0], $0xffff  }
0x10b: {  	v20 =	vadd.s32 s31, v0  }
0x10c: {  	s31 =	sadd.s32 $0xFFFFFFF2, s28;
	v16 =	vadd.f32 v17, v16;
	v17 =	vld.idx.msk [tilespmem:v21+s13+$0x0], $0xffff  }
0x10d: {  	v21 =	vadd.s32 s31, v0  }
0x10e: {  	s31 =	sadd.s32 $0xFFFFFFF3, s28;
	v16 =	vadd.f32 v19, v16;
	v19 =	vld.idx.msk [tilespmem:v22+s13+$0x0], $0xffff  }
0x10f: {  	v22 =	vadd.s32 s31, v0  }
0x110: {  	s31 =	sadd.s32 $0xFFFFFFF4, s28;
	v16 =	vadd.f32 v18, v16;
	v18 =	vld.idx.msk [tilespmem:v20+s13+$0x0], $0xffff  }
0x111: {  	v20 =	vadd.s32 s31, v0  }
0x112: {  	s31 =	sadd.s32 $0xFFFFFFF5, s28;
	v16 =	vadd.f32 v17, v16;
	v17 =	vld.idx.msk [tilespmem:v21+s13+$0x0], $0xffff  }
0x113: {  	v21 =	vadd.s32 s31, v0  }
0x114: {  	s31 =	sadd.s32 $0xFFFFFFF6, s28;
	v16 =	vadd.f32 v19, v16;
	v19 =	vld.idx.msk [tilespmem:v22+s13+$0x0], $0xffff  }
0x115: {  	v22 =	vadd.s32 s31, v0  }
0x116: {  	s31 =	sadd.s32 $0xFFFFFFF7, s28;
	v16 =	vadd.f32 v18, v16;
	v18 =	vld.idx.msk [tilespmem:v20+s13+$0x0], $0xffff  }
0x117: {  	v20 =	vadd.s32 s31, v0  }
0x118: {  	s31 =	sadd.s32 $0xFFFFFFF8, s28;
	v16 =	vadd.f32 v17, v16;
	v17 =	vld.idx.msk [tilespmem:v21+s13+$0x0], $0xffff  }
0x119: {  	v21 =	vadd.s32 s31, v0  }
0x11a: {  	s31 =	sadd.s32 $0xFFFFFFF9, s28;
	v16 =	vadd.f32 v19, v16;
	v19 =	vld.idx.msk [tilespmem:v22+s13+$0x0], $0xffff  }
0x11b: {  	v22 =	vadd.s32 s31, v0  }
0x11c: {  	s31 =	sadd.s32 $0xFFFFFFFA, s28;
	v16 =	vadd.f32 v18, v16;
	v18 =	vld.idx.msk [tilespmem:v20+s13+$0x0], $0xffff  }
0x11d: {  	v20 =	vadd.s32 s31, v0  }
0x11e: {  	s31 =	sadd.s32 $0xFFFFFFFB, s28;
	v16 =	vadd.f32 v17, v16;
	v17 =	vld.idx.msk [tilespmem:v21+s13+$0x0], $0xffff  }
0x11f: {  	v21 =	vadd.s32 s31, v0  }
0x120: {  	s31 =	sadd.s32 $0xFFFFFFFC, s28;
	v16 =	vadd.f32 v19, v16;
	v19 =	vld.idx.msk [tilespmem:v22+s13+$0x0], $0xffff  }
0x121: {  	v22 =	vadd.s32 s31, v0  }
0x122: {  	s31 =	sadd.s32 $0xFFFFFFFD, s28;
	v16 =	vadd.f32 v18, v16;
	v18 =	vld.idx.msk [tilespmem:v20+s13+$0x0], $0xffff  }
0x123: {  	v20 =	vadd.s32 s31, v0  }
0x124: {  	s31 =	sadd.s32 $0xFFFFFFFE, s28;
	v16 =	vadd.f32 v17, v16;
	v17 =	vld.idx.msk [tilespmem:v21+s13+$0x0], $0xffff  }
0x125: {  	v21 =	vadd.s32 s31, v0  }
0x126: {  	s31 =	sadd.s32 $0xFFFFFFFF, s28;
	v16 =	vadd.f32 v19, v16;
	v19 =	vld.idx.msk [tilespmem:v22+s13+$0x0], $0xffff  }
0x127: {  	s26 =	sadd.s32 $0xD0, s26;
	v22 =	vadd.s32 s31, v0  }
0x128: {  	s31 =	sadd.s32 $0xFFFFFFF4, s26;
	v16 =	vadd.f32 v18, v16;
	v18 =	vld.idx.msk [tilespmem:v20+s13+$0x0], $0xffff;
	v20 =	vadd.s32 s28, v0;
	s28 =	smov.u32 s30  }
0x129: {  	v23 =	vadd.s32 s31, v1  }
0x12a: {  	s31 =	sadd.s32 $0xFFFFFFF5, s26;
	v16 =	vadd.f32 v17, v16;
	v17 =	vld.idx.msk [tilespmem:v21+s13+$0x0], $0xffff  }
0x12b: {  	v21 =	vadd.s32 s31, v1  }
0x12c: {  	s31 =	sadd.s32 $0xFFFFFFF6, s26;
	v16 =	vadd.f32 v19, v16;
	v19 =	vld.idx.msk [tilespmem:v22+s13+$0x0], $0xffff  }
0x12d: {  	v22 =	vadd.s32 s31, v1;
	v20 =	vld.idx.msk [tilespmem:v20+s13+$0x0], $0xffff  }
0x12e: {  	s31 =	sadd.s32 $0xFFFFFFF7, s26;
	v16 =	vadd.f32 v18, v16;
	v18 =	vld.idx.msk [tilespmem:v23+s9+$0x0], $0xffff  }
0x12f: {  	v23 =	vadd.s32 s31, v1  }
0x130: {  	s31 =	sadd.s32 $0xFFFFFFF8, s26;
	v16 =	vadd.f32 v17, v16;
	v17 =	vld.idx.msk [tilespmem:v21+s9+$0x0], $0xffff  }
0x131: {  	v21 =	vadd.s32 s31, v1  }
0x132: {  	s31 =	sadd.s32 $0xFFFFFFF9, s26;
	v16 =	vadd.f32 v19, v16;
	v19 =	vld.idx.msk [tilespmem:v22+s9+$0x0], $0xffff  }
0x133: {  	v22 =	vadd.s32 s31, v1  }
0x134: {  	s31 =	sadd.s32 $0xFFFFFFFA, s26;
	v16 =	vadd.f32 v20, v16;
	v18 =	vmul.f32 v18, v2;
	v20 =	vld.idx.msk [tilespmem:v23+s9+$0x0], $0xffff  }
0x135: {  	v23 =	vadd.s32 s31, v1  }
0x136: {  	s31 =	sadd.s32 $0xFFFFFFFB, s26;
	v16 =	vadd.f32 v18, v16;
	v17 =	vmul.f32 v17, v3;
	v18 =	vld.idx.msk [tilespmem:v21+s9+$0x0], $0xffff  }
0x137: {  	v21 =	vadd.s32 s31, v1  }
0x138: {  	s31 =	sadd.s32 $0xFFFFFFFC, s26;
	v16 =	vadd.f32 v17, v16;
	v17 =	vmul.f32 v19, v4;
	v19 =	vld.idx.msk [tilespmem:v22+s9+$0x0], $0xffff  }
0x139: {  	v22 =	vadd.s32 s31, v1  }
0x13a: {  	s31 =	sadd.s32 $0xFFFFFFFD, s26;
	v16 =	vadd.f32 v17, v16;
	v17 =	vmul.f32 v20, v5;
	v20 =	vld.idx.msk [tilespmem:v23+s9+$0x0], $0xffff  }
0x13b: {  	v23 =	vadd.s32 s31, v1  }
0x13c: {  	s31 =	sadd.s32 $0xFFFFFFFE, s26;
	v16 =	vadd.f32 v17, v16;
	v17 =	vmul.f32 v18, v6;
	v18 =	vld.idx.msk [tilespmem:v21+s9+$0x0], $0xffff  }
0x13d: {  	v21 =	vadd.s32 s31, v1  }
0x13e: {  	s31 =	sadd.s32 $0xFFFFFFFF, s26;
	v16 =	vadd.f32 v17, v16;
	v17 =	vmul.f32 v19, v7;
	v19 =	vld.idx.msk [tilespmem:v22+s9+$0x0], $0xffff  }
0x13f: {  	v22 =	vadd.s32 s31, v1  }
0x140: {  	v16 =	vadd.f32 v17, v16;
	v17 =	vmul.f32 v20, v8;
	v20 =	vld.idx.msk [tilespmem:v23+s9+$0x0], $0xffff  }
0x141: {  	v23 =	vadd.s32 s26, v1  }
0x142: {  	v16 =	vadd.f32 v17, v16;
	v17 =	vmul.f32 v18, v10;
	v18 =	vld.idx.msk [tilespmem:v21+s9+$0x0], $0xffff;
	_ =	sdelay $0x1  }
0x143: {  	v16 =	vadd.f32 v17, v16;
	v17 =	vmul.f32 v19, v11;
	v19 =	vld.idx.msk [tilespmem:v22+s9+$0x0], $0xffff;
	_ =	sdelay $0x1  }
0x144: {  	v17 =	vadd.f32 v17, v16;
	v20 =	vmul.f32 v20, v12;
	v16 =	vld.idx.msk [tilespmem:v23+s9+$0x0], $0xffff  }
.Ltmp0:
0x145: {  	(pc) =	sbr.rel @p0 .LBB2_2-.Ltmp0, $3  }
0x146: {  	v17 =	vadd.f32 v20, v17;
	v18 =	vmul.f32 v18, v13;
	_ =	sdelay $0x1  }
0x147: {  	v17 =	vadd.f32 v18, v17;
	v18 =	vmul.f32 v19, v14  }
0x148: {  	s30 =	sadd.s32 $0x1A0, s30;
	s31 =	sadd.s32 $0xFFFFFFE7, s28  }
0x149: {  	v19 =	vadd.s32 s31, v0;
	v17 =	vadd.f32 v18, v17;
	v16 =	vmul.f32 v16, v15  }
0x14a: {  	s30 =	sadd.s32 $0xFFFFFFE8, s28  }
0x14b: {  	v33 =	vadd.s32 s30, v0;
	v16 =	vadd.f32 v16, v17  }
0x14c: {  	s31 =	sadd.s32 $0xFFFFFFE9, s28;
	s29 =	sadd.s32 $0x10, s29  }
0x14d: {  	v34 =	vadd.s32 s31, v0;
	[tilespmem:s29+$0x0] =	vst v16  }
0x14e: {  	s31 =	sadd.s32 $0xFFFFFFEA, s28;
	v16 =	vld.idx.msk [tilespmem:v19+s13+$0x0], $0xffff  }
0x14f: {  	v35 =	vadd.s32 s31, v0  }
0x150: {  	s31 =	sadd.s32 $0xFFFFFFEB, s28;
	v18 =	vld.idx.msk [tilespmem:v33+s13+$0x0], $0xffff  }
0x151: {  	v20 =	vadd.s32 s31, v0  }
0x152: {  	s31 =	sadd.s32 $0xFFFFFFEC, s28;
	v17 =	vld.idx.msk [tilespmem:v34+s13+$0x0], $0xffff  }
0x153: {  	v21 =	vadd.s32 s31, v0;
	v9 =	vadd.f32 v16, v9  }
0x154: {  	s31 =	sadd.s32 $0xFFFFFFED, s28;
	v36 =	vld.idx.msk [tilespmem:v35+s13+$0x0], $0xffff  }
0x155: {  	v37 =	vadd.s32 s31, v0;
	v9 =	vadd.f32 v18, v9  }
0x156: {  	s31 =	sadd.s32 $0xFFFFFFEE, s28;
	v38 =	vld.idx.msk [tilespmem:v20+s13+$0x0], $0xffff  }
0x157: {  	v39 =	vadd.s32 s31, v0;
	v9 =	vadd.f32 v17, v9  }
0x158: {  	s31 =	sadd.s32 $0xFFFFFFEF, s28;
	v40 =	vld.idx.msk [tilespmem:v21+s13+$0x0], $0xffff  }
0x159: {  	v41 =	vadd.s32 s31, v0;
	v9 =	vadd.f32 v36, v9  }
0x15a: {  	s31 =	sadd.s32 $0xFFFFFFF0, s28;
	v42 =	vld.idx.msk [tilespmem:v37+s13+$0x0], $0xffff  }
0x15b: {  	v43 =	vadd.s32 s31, v0;
	v9 =	vadd.f32 v38, v9  }
0x15c: {  	s31 =	sadd.s32 $0xFFFFFFF1, s28;
	v44 =	vld.idx.msk [tilespmem:v39+s13+$0x0], $0xffff  }
0x15d: {  	v45 =	vadd.s32 s31, v0;
	v9 =	vadd.f32 v40, v9  }
0x15e: {  	s31 =	sadd.s32 $0xFFFFFFF2, s28;
	v46 =	vld.idx.msk [tilespmem:v41+s13+$0x0], $0xffff  }
0x15f: {  	v47 =	vadd.s32 s31, v0;
	v9 =	vadd.f32 v42, v9  }
0x160: {  	s31 =	sadd.s32 $0xFFFFFFF3, s28;
	v48 =	vld.idx.msk [tilespmem:v43+s13+$0x0], $0xffff  }
0x161: {  	v49 =	vadd.s32 s31, v0;
	v9 =	vadd.f32 v44, v9  }
0x162: {  	s31 =	sadd.s32 $0xFFFFFFF4, s28;
	v50 =	vld.idx.msk [tilespmem:v45+s13+$0x0], $0xffff  }
0x163: {  	v51 =	vadd.s32 s31, v0;
	v9 =	vadd.f32 v46, v9  }
0x164: {  	s31 =	sadd.s32 $0xFFFFFFF5, s28;
	v52 =	vld.idx.msk [tilespmem:v47+s13+$0x0], $0xffff  }
0x165: {  	v53 =	vadd.s32 s31, v0;
	v9 =	vadd.f32 v48, v9  }
0x166: {  	s31 =	sadd.s32 $0xFFFFFFF6, s28;
	v54 =	vld.idx.msk [tilespmem:v49+s13+$0x0], $0xffff  }
0x167: {  	v55 =	vadd.s32 s31, v0;
	v9 =	vadd.f32 v50, v9  }
0x168: {  	s31 =	sadd.s32 $0xFFFFFFF7, s28;
	v56 =	vld.idx.msk [tilespmem:v51+s13+$0x0], $0xffff  }
0x169: {  	v57 =	vadd.s32 s31, v0;
	v9 =	vadd.f32 v52, v9  }
0x16a: {  	s31 =	sadd.s32 $0xFFFFFFF8, s28;
	v58 =	vld.idx.msk [tilespmem:v53+s13+$0x0], $0xffff  }
0x16b: {  	v59 =	vadd.s32 s31, v0;
	v9 =	vadd.f32 v54, v9  }
0x16c: {  	s31 =	sadd.s32 $0xFFFFFFF9, s28;
	v60 =	vld.idx.msk [tilespmem:v55+s13+$0x0], $0xffff  }
0x16d: {  	v61 =	vadd.s32 s31, v0;
	v9 =	vadd.f32 v56, v9  }
0x16e: {  	s31 =	sadd.s32 $0xFFFFFFFA, s28;
	v62 =	vld.idx.msk [tilespmem:v57+s13+$0x0], $0xffff  }
0x16f: {  	v63 =	vadd.s32 s31, v0;
	v9 =	vadd.f32 v58, v9  }
0x170: {  	s31 =	sadd.s32 $0xFFFFFFFB, s28;
	v24 =	vld.idx.msk [tilespmem:v59+s13+$0x0], $0xffff  }
0x171: {  	v25 =	vadd.s32 s31, v0;
	v9 =	vadd.f32 v60, v9  }
0x172: {  	s31 =	sadd.s32 $0xFFFFFFFC, s28;
	v26 =	vld.idx.msk [tilespmem:v61+s13+$0x0], $0xffff  }
0x173: {  	v27 =	vadd.s32 s31, v0;
	v9 =	vadd.f32 v62, v9  }
0x174: {  	s31 =	sadd.s32 $0xFFFFFFFD, s28;
	v28 =	vld.idx.msk [tilespmem:v63+s13+$0x0], $0xffff  }
0x175: {  	v29 =	vadd.s32 s31, v0;
	v9 =	vadd.f32 v24, v9  }
0x176: {  	s31 =	sadd.s32 $0xFFFFFFFE, s28;
	v30 =	vld.idx.msk [tilespmem:v25+s13+$0x0], $0xffff  }
0x177: {  	v31 =	vadd.s32 s31, v0;
	v9 =	vadd.f32 v26, v9  }
0x178: {  	s31 =	sadd.s32 $0xFFFFFFFF, s28;
	v32 =	vld.idx.msk [tilespmem:v27+s13+$0x0], $0xffff  }
0x179: {  	s26 =	sadd.s32 $0xD0, s26;
	v33 =	vadd.s32 s31, v0;
	v9 =	vadd.f32 v28, v9  }
0x17a: {  	v35 =	vadd.s32 s28, v0;
	s31 =	sadd.s32 $0xFFFFFFF4, s26;
	v34 =	vld.idx.msk [tilespmem:v29+s13+$0x0], $0xffff  }
0x17b: {  	v22 =	vadd.s32 s31, v1;
	v9 =	vadd.f32 v30, v9  }
0x17c: {  	s30 =	sadd.s32 $0xFFFFFFF5, s26;
	v36 =	vld.idx.msk [tilespmem:v31+s13+$0x0], $0xffff  }
0x17d: {  	v37 =	vadd.s32 s30, v1;
	v9 =	vadd.f32 v32, v9  }
0x17e: {  	s31 =	sadd.s32 $0xFFFFFFF6, s26;
	v38 =	vld.idx.msk [tilespmem:v33+s13+$0x0], $0xffff  }
0x17f: {  	v39 =	vld.idx.msk [tilespmem:v35+s13+$0x0], $0xffff;
	v40 =	vadd.s32 s31, v1;
	v9 =	vadd.f32 v34, v9  }
0x180: {  	s30 =	sadd.s32 $0xFFFFFFF7, s26;
	v41 =	vld.idx.msk [tilespmem:v22+s9+$0x0], $0xffff  }
0x181: {  	v42 =	vadd.s32 s30, v1;
	v9 =	vadd.f32 v36, v9  }
0x182: {  	v43 =	vld.idx.msk [tilespmem:v37+s9+$0x0], $0xffff;
	s31 =	sadd.s32 $0xFFFFFFF8, s26  }
0x183: {  	v44 =	vadd.s32 s31, v1;
	v9 =	vadd.f32 v38, v9  }
0x184: {  	s30 =	sadd.s32 $0xFFFFFFF9, s26;
	v45 =	vld.idx.msk [tilespmem:v40+s9+$0x0], $0xffff  }
0x185: {  	v46 =	vadd.s32 s30, v1;
	v2 =	vmul.f32 v41, v2;
	v9 =	vadd.f32 v39, v9  }
0x186: {  	s31 =	sadd.s32 $0xFFFFFFFA, s26;
	v47 =	vld.idx.msk [tilespmem:v42+s9+$0x0], $0xffff  }
0x187: {  	v3 =	vmul.f32 v43, v3;
	v48 =	vadd.s32 s31, v1;
	v2 =	vadd.f32 v2, v9  }
0x188: {  	s30 =	sadd.s32 $0xFFFFFFFB, s26;
	v49 =	vld.idx.msk [tilespmem:v44+s9+$0x0], $0xffff  }
0x189: {  	v50 =	vadd.s32 s30, v1;
	v2 =	vadd.f32 v3, v2;
	v3 =	vmul.f32 v45, v4  }
0x18a: {  	s31 =	sadd.s32 $0xFFFFFFFC, s26;
	v51 =	vld.idx.msk [tilespmem:v46+s9+$0x0], $0xffff  }
0x18b: {  	v52 =	vadd.s32 s31, v1;
	v2 =	vadd.f32 v3, v2;
	v3 =	vmul.f32 v47, v5  }
0x18c: {  	s30 =	sadd.s32 $0xFFFFFFFD, s26;
	v53 =	vld.idx.msk [tilespmem:v48+s9+$0x0], $0xffff  }
0x18d: {  	v54 =	vadd.s32 s30, v1;
	v2 =	vadd.f32 v3, v2;
	v3 =	vmul.f32 v49, v6  }
0x18e: {  	s31 =	sadd.s32 $0xFFFFFFFE, s26;
	v55 =	vld.idx.msk [tilespmem:v50+s9+$0x0], $0xffff  }
0x18f: {  	v56 =	vadd.s32 s31, v1;
	v2 =	vadd.f32 v3, v2;
	v3 =	vmul.f32 v51, v7  }
0x190: {  	s30 =	sadd.s32 $0xFFFFFFFF, s26;
	v57 =	vld.idx.msk [tilespmem:v52+s9+$0x0], $0xffff  }
0x191: {  	v58 =	vadd.s32 s30, v1;
	v2 =	vadd.f32 v3, v2;
	v3 =	vmul.f32 v53, v8  }
0x192: {  	v59 =	vld.idx.msk [tilespmem:v54+s9+$0x0], $0xffff  }
0x193: {  	v60 =	vadd.s32 s26, v1;
	v2 =	vadd.f32 v3, v2;
	v3 =	vmul.f32 v55, v10  }
0x194: {  	v61 =	vld.idx.msk [tilespmem:v56+s9+$0x0], $0xffff  }
0x195: {  	v2 =	vadd.f32 v3, v2;
	v3 =	vmul.f32 v57, v11  }
0x196: {  	v62 =	vld.idx.msk [tilespmem:v58+s9+$0x0], $0xffff  }
0x197: {  	v2 =	vadd.f32 v3, v2;
	v3 =	vmul.f32 v59, v12  }
0x198: {  	v63 =	vld.idx.msk [tilespmem:v60+s9+$0x0], $0xffff  }
0x199: {  	v2 =	vadd.f32 v3, v2;
	v3 =	vmul.f32 v61, v13;
	_ =	sdelay $0x1  }
0x19a: {  	v2 =	vadd.f32 v3, v2;
	v3 =	vmul.f32 v62, v14;
	_ =	sdelay $0x1  }
0x19b: {  	v2 =	vadd.f32 v3, v2;
	v3 =	vmul.f32 v63, v15;
	_ =	sdelay $0x1  }
0x19c: {  	s25 =	sadd.s32 $0x1, s25;
	v2 =	vadd.f32 v3, v2  }
0x19d: {  	p0 =	sne.s32 s25, s8;
	s31 =	sadd.s32 $0x10, s29  }
.Ltmp1:
0x19e: {  	[tilespmem:s31+$0x0] =	vst v2;
	(pc) =	sbr.rel @p0 .LBB2_1-.Ltmp1, $4  }
0x19f: {  	[hbm4b:s7+s4] =	stream.linear.scatter [tilespmem:s23], [sflag:$0x4], $0x200, $0x38;
	[tilespmem:$0x8500] =	vst v63  }
0x1a0: {  	_ =	swait.ge [sflag:s24], $0x200  }
0x1a1: {  	[sflag:s24] =	ssyncset.done $0x0  }
0x1a2: {  	[sflag:s24] =	ssyncadd.s32 $0xFFFFFE00  }
0x1a3: {  	_ =	sfence.sel $0x180000  }
0x1a4: {  	[bflag:$0x0] =	sbarrier.arrive $0xFFFF  }
0x1a5: {  	_ =	strace $0x90000047  }
0x1a6: {  	s0 =	stileid.u32;
	[bflag:$0x2] =	sbarrier.arrive $0xFFFF  }
0x1a7: {  	p0 =	sne.s32 s0, $0x0;
	s0 =	rddreg [dreg:$0x5]  }
0x1a8: {  	s0 =	sadd.s32 @!p0 $0x100000, s0  }
0x1a9: {  	[sflag:s0] =	ssyncadd.tile.s32 @!p0 $0x1;
	_ =	shalt  }
.Lfunc_end2:
_tile_overlayer_lowered:
.L_overlay_start_2:
0x1aa: {  	(tag) =	ssettag $0x2  }
0x1ab: {  	s0 =	rddreg [dreg:$0x0];
	s2 =	stileid.u32  }
0x1ac: {  	s1 =	rddreg [dreg:$0x1];
	p0 =	sne.s32 s2, $0x0  }
0x1ad: {  	s3 =	rddreg [dreg:$0x2];
	[bflag:$0x3] =	sbarrier.arrive $0xFFFF;
	s2 =	simm.s32 @!p0 $0x1C04  }
0x1ae: {  	[timem:s3], [sflag:s2] =	dma.local @!p0 [hbm:s0], s1  }
0x1af: {  	s0 =	simm.s32 @!p0 $0x4  }
0x1b0: {  	_ =	swait.ge @!p0 [sflag:s0], s1  }
0x1b1: {  	s1 =	ssub.s32 @!p0 $0x0, s1;
	[sflag:s0] =	ssyncset.done @!p0 $0x0  }
0x1b2: {  	[sflag:s0] =	ssyncadd.s32 @!p0 s1  }
0x1b3: {  	[bflag:$0x3] =	sbarrier.arrive $0xFFFF  }
0x1b4: {  	_ =	shalt  }

</sc_bundles>
